<compile_context>
chip_gen: v7x
topology: tpu7x:2x2x1
jax: 0.10.2.dev20260603
libtpu: 0.0.44.dev20260713+nightly
codegen_flags: <defaults>
</compile_context>

<pallas_src>
import functools

import jax
import jax.numpy as jnp
from jax import lax
from jax.experimental import pallas as pl
from jax.experimental.pallas import tpu as pltpu
from jax.experimental.pallas import tpu_sc as plsc

_S = 64.0
_M = 0.4

_CH = 16000
_NB = 4
_UNROLL = 8


@functools.cache
def _sc_cosface(rows, vocab):
    info = plsc.get_sparse_core_info()
    nc, lanes = info.num_cores, info.num_lanes
    nw = nc * info.num_subcores
    per_w = rows // nw
    n_per_w = per_w * vocab
    nch = n_per_w // _CH
    assert n_per_w % _CH == 0 and _CH % (lanes * _UNROLL) == 0
    assert nch % _NB == 0 and nch // _NB >= 3
    mesh = plsc.VectorSubcoreMesh(core_axis_name="c", subcore_axis_name="s")

    @functools.partial(
        pl.kernel,
        out_type=jax.ShapeDtypeStruct((rows * vocab,), jnp.float32),
        mesh=mesh,
        scratch_types=(
            [pltpu.VMEM((_CH,), jnp.float32) for _ in range(2 * _NB)]
            + [
                pltpu.VMEM((per_w,), jnp.int32),
                pltpu.VMEM((per_w,), jnp.int32),
                pltpu.VMEM((per_w,), jnp.float32),
            ]
            + [pltpu.SemaphoreType.DMA for _ in range(2 * _NB + 1)]
        ),
    )
    def cosface(x_hbm, lab_hbm, o_hbm, *scratch):
        ibufs = scratch[:_NB]
        obufs = scratch[_NB : 2 * _NB]
        lab_v, idx_v, val_v = scratch[2 * _NB : 2 * _NB + 3]
        isems = scratch[2 * _NB + 3 : 3 * _NB + 3]
        osems = scratch[3 * _NB + 3 : 4 * _NB + 3]
        fsem = scratch[4 * _NB + 3]

        wid = lax.axis_index("s") * nc + lax.axis_index("c")
        elem0 = wid * n_per_w

        def start_in(idx, b):
            pltpu.make_async_copy(
                x_hbm.at[pl.ds(elem0 + idx * _CH, _CH)], ibufs[b], isems[b]
            ).start()

        def start_out(idx, b):
            pltpu.make_async_copy(
                obufs[b], o_hbm.at[pl.ds(elem0 + idx * _CH, _CH)], osems[b]
            ).start()

        def wait_in(b):
            pltpu.make_async_copy(
                x_hbm.at[pl.ds(elem0, _CH)], ibufs[b], isems[b]
            ).wait()

        def wait_out(b):
            pltpu.make_async_copy(
                obufs[b], o_hbm.at[pl.ds(elem0, _CH)], osems[b]
            ).wait()

        def compute(b):
            ib, ob = ibufs[b], obufs[b]

            @plsc.parallel_loop(0, _CH, step=lanes, unroll=_UNROLL)
            def body(off):
                ob[pl.ds(off, lanes)] = ib[pl.ds(off, lanes)] * jnp.float32(_S)

        for b in range(_NB):
            start_in(b, b)
        for b in range(_NB):
            wait_in(b)
            compute(b)
            start_out(b, b)
            start_in(b + _NB, b)

        def group(g, carry):
            for b in range(_NB):
                idx = g * _NB + b
                wait_in(b)
                wait_out(b)
                compute(b)
                start_out(idx, b)
                start_in(idx + _NB, b)
            return carry

        lax.fori_loop(1, nch // _NB - 1, group, 0)

        for b in range(_NB):
            idx = nch - _NB + b
            wait_in(b)
            wait_out(b)
            compute(b)
            start_out(idx, b)
        for b in range(_NB):
            wait_out(b)

        row0 = wid * per_w
        pltpu.sync_copy(lab_hbm.at[pl.ds(row0, per_w)], lab_v)
        for k in range(per_w // lanes):
            lab = lab_v[pl.ds(k * lanes, lanes)]
            row = row0 + k * lanes + lax.iota(jnp.int32, lanes)
            idx_v[pl.ds(k * lanes, lanes)] = row * vocab + jnp.maximum(lab, 0)
        pltpu.async_copy(o_hbm.at[idx_v], val_v, fsem).wait()
        for k in range(per_w // lanes):
            lab = lab_v[pl.ds(k * lanes, lanes)]
            val = val_v[pl.ds(k * lanes, lanes)]
            margin = jnp.where(lab >= 0, jnp.float32(_S * _M), jnp.float32(0.0))
            val_v[pl.ds(k * lanes, lanes)] = val - margin
        pltpu.async_copy(val_v, o_hbm.at[idx_v], fsem).wait()

    return cosface


def kernel(logits, labels):
    rows, vocab = logits.shape
    out = _sc_cosface(rows, vocab)(logits.reshape(-1), labels.astype(jnp.int32))
    return out.reshape(rows, vocab)

# --- scband reference (transcript-rebuilt; emitter-appended) ---
"""Pipeline reference for scband-cos-face-62405874811293 (READ-ONLY COPY).

The authoritative reference and input builder live on the scoring server;
editing this copy changes nothing except your own understanding.
"""

import jax, jax.numpy as jnp
import numpy as np

S = 64.0
M = 0.4


def setup_inputs(seed: int = 0) -> dict:
    key = jax.random.key(seed)
    k1, k2 = jax.random.split(key)
    logits = jax.random.normal(k1, (1024, 100000), dtype=jnp.float32)
    labels = jax.random.randint(k2, (1024,), 0, 100000, dtype=jnp.int64)
    return {"logits": logits, "labels": labels}


def reference(logits, labels):
    # index = torch.where(labels != -1)[0]
    mask = labels != -1
    rows = jnp.arange(labels.shape[0])
    lab = labels.reshape(-1)
    # target_logit = logits[index, labels[index]]
    target_logit = logits[rows, lab]
    final_target_logit = jnp.where(mask, target_logit - M, target_logit)
    # in-place write -> functional scatter-overwrite
    logits = logits.at[rows, lab].set(final_target_logit)
    logits = logits * S
    return logits

if __name__ == "__main__":
    import jax
    _d = setup_inputs()
    print(jax.jit(kernel)(*tuple(_d.values())))

</pallas_src>

<mosaic_0001>
#map = affine_map<(d0, d1) -> (0)>
module attributes {stable_mosaic.version = 14 : i64} {
  func.func @cosface(%arg0: i32, %arg1: i32, %arg2: memref<102400000xf32, #tpu.memory_space<hbm>>, %arg3: memref<1024xi32, #tpu.memory_space<hbm>>, %arg4: memref<102400000xf32, #tpu.memory_space<hbm>>, %arg5: memref<16000xf32, #tpu.memory_space<vmem>>, %arg6: memref<16000xf32, #tpu.memory_space<vmem>>, %arg7: memref<16000xf32, #tpu.memory_space<vmem>>, %arg8: memref<16000xf32, #tpu.memory_space<vmem>>, %arg9: memref<16000xf32, #tpu.memory_space<vmem>>, %arg10: memref<16000xf32, #tpu.memory_space<vmem>>, %arg11: memref<16000xf32, #tpu.memory_space<vmem>>, %arg12: memref<16000xf32, #tpu.memory_space<vmem>>, %arg13: memref<32xi32, #tpu.memory_space<vmem>>, %arg14: memref<32xi32, #tpu.memory_space<vmem>>, %arg15: memref<32xf32, #tpu.memory_space<vmem>>, %arg16: memref<!tpu.dma_semaphore, #tpu.memory_space<semaphore_mem>>, %arg17: memref<!tpu.dma_semaphore, #tpu.memory_space<semaphore_mem>>, %arg18: memref<!tpu.dma_semaphore, #tpu.memory_space<semaphore_mem>>, %arg19: memref<!tpu.dma_semaphore, #tpu.memory_space<semaphore_mem>>, %arg20: memref<!tpu.dma_semaphore, #tpu.memory_space<semaphore_mem>>, %arg21: memref<!tpu.dma_semaphore, #tpu.memory_space<semaphore_mem>>, %arg22: memref<!tpu.dma_semaphore, #tpu.memory_space<semaphore_mem>>, %arg23: memref<!tpu.dma_semaphore, #tpu.memory_space<semaphore_mem>>, %arg24: memref<!tpu.dma_semaphore, #tpu.memory_space<semaphore_mem>>) attributes {dimension_semantics = [#tpu.dimension_semantics<core_parallel>, #tpu.dimension_semantics<subcore_parallel>], iteration_bounds = array<i64: 2, 16>, scalar_prefetch = 0 : i64, scratch_operands = 20 : i64, tpu.core_type = #tpu.core_type<sc_vector_subcore>, window_params = [{transform_indices = #map}, {transform_indices = #map}, {transform_indices = #map}]} {
    %mul3A = arith.constant 2 : i32
    %mul3A_0 = arith.muli %arg1, %mul3A : i32
    %add3A = arith.addi %mul3A_0, %arg0 : i32
    %mul3A_1 = arith.constant 3200000 : i32
    %mul3A_2 = arith.muli %add3A, %mul3A_1 : i32
    %add3A_3 = arith.constant 0 : i32
    %add3A_4 = arith.addi %mul3A_2, %add3A_3 : i32
    %dma_start3A = tpu.memref_slice %arg2[%add3A_4] : memref<102400000xf32, #tpu.memory_space<hbm>> -> memref<16000xf32, #tpu.memory_space<hbm>>
    %dma_start3A_5 = tpu.memref_slice %arg2[%add3A_4] : memref<102400000xf32, #tpu.memory_space<hbm>> -> memref<16000xf32, #tpu.memory_space<hbm>>
    tpu.enqueue_dma source(%dma_start3A_5 : memref<16000xf32, #tpu.memory_space<hbm>>) target(%arg5 : memref<16000xf32, #tpu.memory_space<vmem>>) target_semaphore(%arg16 : memref<!tpu.dma_semaphore, #tpu.memory_space<semaphore_mem>>)
    %add3A_6 = arith.constant 16000 : i32
    %add3A_7 = arith.addi %mul3A_2, %add3A_6 : i32
    %dma_start3A_8 = tpu.memref_slice %arg2[%add3A_7] : memref<102400000xf32, #tpu.memory_space<hbm>> -> memref<16000xf32, #tpu.memory_space<hbm>>
    %dma_start3A_9 = tpu.memref_slice %arg2[%add3A_7] : memref<102400000xf32, #tpu.memory_space<hbm>> -> memref<16000xf32, #tpu.memory_space<hbm>>
    tpu.enqueue_dma source(%dma_start3A_9 : memref<16000xf32, #tpu.memory_space<hbm>>) target(%arg6 : memref<16000xf32, #tpu.memory_space<vmem>>) target_semaphore(%arg17 : memref<!tpu.dma_semaphore, #tpu.memory_space<semaphore_mem>>)
    %add3A_10 = arith.constant 32000 : i32
    %add3A_11 = arith.addi %mul3A_2, %add3A_10 : i32
    %dma_start3A_12 = tpu.memref_slice %arg2[%add3A_11] : memref<102400000xf32, #tpu.memory_space<hbm>> -> memref<16000xf32, #tpu.memory_space<hbm>>
    %dma_start3A_13 = tpu.memref_slice %arg2[%add3A_11] : memref<102400000xf32, #tpu.memory_space<hbm>> -> memref<16000xf32, #tpu.memory_space<hbm>>
    tpu.enqueue_dma source(%dma_start3A_13 : memref<16000xf32, #tpu.memory_space<hbm>>) target(%arg7 : memref<16000xf32, #tpu.memory_space<vmem>>) target_semaphore(%arg18 : memref<!tpu.dma_semaphore, #tpu.memory_space<semaphore_mem>>)
    %add3A_14 = arith.constant 48000 : i32
    %add3A_15 = arith.addi %mul3A_2, %add3A_14 : i32
    %dma_start3A_16 = tpu.memref_slice %arg2[%add3A_15] : memref<102400000xf32, #tpu.memory_space<hbm>> -> memref<16000xf32, #tpu.memory_space<hbm>>
    %dma_start3A_17 = tpu.memref_slice %arg2[%add3A_15] : memref<102400000xf32, #tpu.memory_space<hbm>> -> memref<16000xf32, #tpu.memory_space<hbm>>
    tpu.enqueue_dma source(%dma_start3A_17 : memref<16000xf32, #tpu.memory_space<hbm>>) target(%arg8 : memref<16000xf32, #tpu.memory_space<vmem>>) target_semaphore(%arg19 : memref<!tpu.dma_semaphore, #tpu.memory_space<semaphore_mem>>)
    %dma_wait3A = tpu.memref_slice %arg2[%mul3A_2] : memref<102400000xf32, #tpu.memory_space<hbm>> -> memref<16000xf32, #tpu.memory_space<hbm>>
    %dma_wait3A_18 = tpu.memref_slice %arg2[%mul3A_2] : memref<102400000xf32, #tpu.memory_space<hbm>> -> memref<16000xf32, #tpu.memory_space<hbm>>
    tpu.wait_dma2 semaphore(%arg16 : memref<!tpu.dma_semaphore, #tpu.memory_space<semaphore_mem>>) src(%dma_wait3A_18 : memref<16000xf32, #tpu.memory_space<hbm>>) dst(%arg5 : memref<16000xf32, #tpu.memory_space<vmem>>)
    %parallel_loop3A = arith.constant 0 : i32
    %parallel_loop3A_19 = arith.constant 16000 : i32
    %parallel_loop3A_20 = arith.constant 16 : i32
    scf.for %parallel_loop3A_202 = %parallel_loop3A to %parallel_loop3A_19 step %parallel_loop3A_20  : i32 {
      %parallel_loop3A_203 = arith.index_cast %parallel_loop3A_202 : i32 to index
      %parallel_loop3A_204 = tpu.vector_load %arg5[%parallel_loop3A_203] {strides = array<i32>} : memref<16000xf32, #tpu.memory_space<vmem>>, vector<16xf32>,
      %parallel_loop3A_205 = vector.shape_cast %parallel_loop3A_204 : vector<16xf32> to vector<16xf32>
      %parallel_loop3A_206 = arith.constant 6.400000e+01 : f32
      %parallel_loop3A_207 = vector.broadcast %parallel_loop3A_206 : f32 to vector<16xf32>
      %parallel_loop3A_208 = arith.mulf %parallel_loop3A_205, %parallel_loop3A_207 : vector<16xf32>
      %parallel_loop3A_209 = arith.index_cast %parallel_loop3A_202 : i32 to index
      %parallel_loop3A_210 = tpu.vector_load %arg9[%parallel_loop3A_209] {strides = array<i32>} : memref<16000xf32, #tpu.memory_space<vmem>>, vector<16xf32>,
      %parallel_loop3A_211 = vector.shape_cast %parallel_loop3A_210 : vector<16xf32> to vector<16xf32>
      %parallel_loop3A_212 = vector.shape_cast %parallel_loop3A_208 : vector<16xf32> to vector<16xf32>
      tpu.vector_store %arg9[%parallel_loop3A_209], %parallel_loop3A_212 {strides = array<i32>} : memref<16000xf32, #tpu.memory_space<vmem>>, vector<16xf32>,
    } {sc.loop_unroll_factor = 8 : i64, sc.parallel_access}
    %add3A_21 = arith.constant 0 : i32
    %add3A_22 = arith.addi %mul3A_2, %add3A_21 : i32
    %dma_start3A_23 = tpu.memref_slice %arg4[%add3A_22] : memref<102400000xf32, #tpu.memory_space<hbm>> -> memref<16000xf32, #tpu.memory_space<hbm>>
    %dma_start3A_24 = tpu.memref_slice %arg4[%add3A_22] : memref<102400000xf32, #tpu.memory_space<hbm>> -> memref<16000xf32, #tpu.memory_space<hbm>>
    tpu.enqueue_dma source(%arg9 : memref<16000xf32, #tpu.memory_space<vmem>>) target(%dma_start3A_24 : memref<16000xf32, #tpu.memory_space<hbm>>) target_semaphore(%arg20 : memref<!tpu.dma_semaphore, #tpu.memory_space<semaphore_mem>>)
    %add3A_25 = arith.constant 64000 : i32
    %add3A_26 = arith.addi %mul3A_2, %add3A_25 : i32
    %dma_start3A_27 = tpu.memref_slice %arg2[%add3A_26] : memref<102400000xf32, #tpu.memory_space<hbm>> -> memref<16000xf32, #tpu.memory_space<hbm>>
    %dma_start3A_28 = tpu.memref_slice %arg2[%add3A_26] : memref<102400000xf32, #tpu.memory_space<hbm>> -> memref<16000xf32, #tpu.memory_space<hbm>>
    tpu.enqueue_dma source(%dma_start3A_28 : memref<16000xf32, #tpu.memory_space<hbm>>) target(%arg5 : memref<16000xf32, #tpu.memory_space<vmem>>) target_semaphore(%arg16 : memref<!tpu.dma_semaphore, #tpu.memory_space<semaphore_mem>>)
    %dma_wait3A_29 = tpu.memref_slice %arg2[%mul3A_2] : memref<102400000xf32, #tpu.memory_space<hbm>> -> memref<16000xf32, #tpu.memory_space<hbm>>
    %dma_wait3A_30 = tpu.memref_slice %arg2[%mul3A_2] : memref<102400000xf32, #tpu.memory_space<hbm>> -> memref<16000xf32, #tpu.memory_space<hbm>>
    tpu.wait_dma2 semaphore(%arg17 : memref<!tpu.dma_semaphore, #tpu.memory_space<semaphore_mem>>) src(%dma_wait3A_30 : memref<16000xf32, #tpu.memory_space<hbm>>) dst(%arg6 : memref<16000xf32, #tpu.memory_space<vmem>>)
    %parallel_loop3A_31 = arith.constant 0 : i32
    %parallel_loop3A_32 = arith.constant 16000 : i32
    %parallel_loop3A_33 = arith.constant 16 : i32
    scf.for %parallel_loop3A_202 = %parallel_loop3A_31 to %parallel_loop3A_32 step %parallel_loop3A_33  : i32 {
      %parallel_loop3A_203 = arith.index_cast %parallel_loop3A_202 : i32 to index
      %parallel_loop3A_204 = tpu.vector_load %arg6[%parallel_loop3A_203] {strides = array<i32>} : memref<16000xf32, #tpu.memory_space<vmem>>, vector<16xf32>,
      %parallel_loop3A_205 = vector.shape_cast %parallel_loop3A_204 : vector<16xf32> to vector<16xf32>
      %parallel_loop3A_206 = arith.constant 6.400000e+01 : f32
      %parallel_loop3A_207 = vector.broadcast %parallel_loop3A_206 : f32 to vector<16xf32>
      %parallel_loop3A_208 = arith.mulf %parallel_loop3A_205, %parallel_loop3A_207 : vector<16xf32>
      %parallel_loop3A_209 = arith.index_cast %parallel_loop3A_202 : i32 to index
      %parallel_loop3A_210 = tpu.vector_load %arg10[%parallel_loop3A_209] {strides = array<i32>} : memref<16000xf32, #tpu.memory_space<vmem>>, vector<16xf32>,
      %parallel_loop3A_211 = vector.shape_cast %parallel_loop3A_210 : vector<16xf32> to vector<16xf32>
      %parallel_loop3A_212 = vector.shape_cast %parallel_loop3A_208 : vector<16xf32> to vector<16xf32>
      tpu.vector_store %arg10[%parallel_loop3A_209], %parallel_loop3A_212 {strides = array<i32>} : memref<16000xf32, #tpu.memory_space<vmem>>, vector<16xf32>,
    } {sc.loop_unroll_factor = 8 : i64, sc.parallel_access}
    %add3A_34 = arith.constant 16000 : i32
    %add3A_35 = arith.addi %mul3A_2, %add3A_34 : i32
    %dma_start3A_36 = tpu.memref_slice %arg4[%add3A_35] : memref<102400000xf32, #tpu.memory_space<hbm>> -> memref<16000xf32, #tpu.memory_space<hbm>>
    %dma_start3A_37 = tpu.memref_slice %arg4[%add3A_35] : memref<102400000xf32, #tpu.memory_space<hbm>> -> memref<16000xf32, #tpu.memory_space<hbm>>
    tpu.enqueue_dma source(%arg10 : memref<16000xf32, #tpu.memory_space<vmem>>) target(%dma_start3A_37 : memref<16000xf32, #tpu.memory_space<hbm>>) target_semaphore(%arg21 : memref<!tpu.dma_semaphore, #tpu.memory_space<semaphore_mem>>)
    %add3A_38 = arith.constant 80000 : i32
    %add3A_39 = arith.addi %mul3A_2, %add3A_38 : i32
    %dma_start3A_40 = tpu.memref_slice %arg2[%add3A_39] : memref<102400000xf32, #tpu.memory_space<hbm>> -> memref<16000xf32, #tpu.memory_space<hbm>>
    %dma_start3A_41 = tpu.memref_slice %arg2[%add3A_39] : memref<102400000xf32, #tpu.memory_space<hbm>> -> memref<16000xf32, #tpu.memory_space<hbm>>
    tpu.enqueue_dma source(%dma_start3A_41 : memref<16000xf32, #tpu.memory_space<hbm>>) target(%arg6 : memref<16000xf32, #tpu.memory_space<vmem>>) target_semaphore(%arg17 : memref<!tpu.dma_semaphore, #tpu.memory_space<semaphore_mem>>)
    %dma_wait3A_42 = tpu.memref_slice %arg2[%mul3A_2] : memref<102400000xf32, #tpu.memory_space<hbm>> -> memref<16000xf32, #tpu.memory_space<hbm>>
    %dma_wait3A_43 = tpu.memref_slice %arg2[%mul3A_2] : memref<102400000xf32, #tpu.memory_space<hbm>> -> memref<16000xf32, #tpu.memory_space<hbm>>
    tpu.wait_dma2 semaphore(%arg18 : memref<!tpu.dma_semaphore, #tpu.memory_space<semaphore_mem>>) src(%dma_wait3A_43 : memref<16000xf32, #tpu.memory_space<hbm>>) dst(%arg7 : memref<16000xf32, #tpu.memory_space<vmem>>)
    %parallel_loop3A_44 = arith.constant 0 : i32
    %parallel_loop3A_45 = arith.constant 16000 : i32
    %parallel_loop3A_46 = arith.constant 16 : i32
    scf.for %parallel_loop3A_202 = %parallel_loop3A_44 to %parallel_loop3A_45 step %parallel_loop3A_46  : i32 {
      %parallel_loop3A_203 = arith.index_cast %parallel_loop3A_202 : i32 to index
      %parallel_loop3A_204 = tpu.vector_load %arg7[%parallel_loop3A_203] {strides = array<i32>} : memref<16000xf32, #tpu.memory_space<vmem>>, vector<16xf32>,
      %parallel_loop3A_205 = vector.shape_cast %parallel_loop3A_204 : vector<16xf32> to vector<16xf32>
      %parallel_loop3A_206 = arith.constant 6.400000e+01 : f32
      %parallel_loop3A_207 = vector.broadcast %parallel_loop3A_206 : f32 to vector<16xf32>
      %parallel_loop3A_208 = arith.mulf %parallel_loop3A_205, %parallel_loop3A_207 : vector<16xf32>
      %parallel_loop3A_209 = arith.index_cast %parallel_loop3A_202 : i32 to index
      %parallel_loop3A_210 = tpu.vector_load %arg11[%parallel_loop3A_209] {strides = array<i32>} : memref<16000xf32, #tpu.memory_space<vmem>>, vector<16xf32>,
      %parallel_loop3A_211 = vector.shape_cast %parallel_loop3A_210 : vector<16xf32> to vector<16xf32>
      %parallel_loop3A_212 = vector.shape_cast %parallel_loop3A_208 : vector<16xf32> to vector<16xf32>
      tpu.vector_store %arg11[%parallel_loop3A_209], %parallel_loop3A_212 {strides = array<i32>} : memref<16000xf32, #tpu.memory_space<vmem>>, vector<16xf32>,
    } {sc.loop_unroll_factor = 8 : i64, sc.parallel_access}
    %add3A_47 = arith.constant 32000 : i32
    %add3A_48 = arith.addi %mul3A_2, %add3A_47 : i32
    %dma_start3A_49 = tpu.memref_slice %arg4[%add3A_48] : memref<102400000xf32, #tpu.memory_space<hbm>> -> memref<16000xf32, #tpu.memory_space<hbm>>
    %dma_start3A_50 = tpu.memref_slice %arg4[%add3A_48] : memref<102400000xf32, #tpu.memory_space<hbm>> -> memref<16000xf32, #tpu.memory_space<hbm>>
    tpu.enqueue_dma source(%arg11 : memref<16000xf32, #tpu.memory_space<vmem>>) target(%dma_start3A_50 : memref<16000xf32, #tpu.memory_space<hbm>>) target_semaphore(%arg22 : memref<!tpu.dma_semaphore, #tpu.memory_space<semaphore_mem>>)
    %add3A_51 = arith.constant 96000 : i32
    %add3A_52 = arith.addi %mul3A_2, %add3A_51 : i32
    %dma_start3A_53 = tpu.memref_slice %arg2[%add3A_52] : memref<102400000xf32, #tpu.memory_space<hbm>> -> memref<16000xf32, #tpu.memory_space<hbm>>
    %dma_start3A_54 = tpu.memref_slice %arg2[%add3A_52] : memref<102400000xf32, #tpu.memory_space<hbm>> -> memref<16000xf32, #tpu.memory_space<hbm>>
    tpu.enqueue_dma source(%dma_start3A_54 : memref<16000xf32, #tpu.memory_space<hbm>>) target(%arg7 : memref<16000xf32, #tpu.memory_space<vmem>>) target_semaphore(%arg18 : memref<!tpu.dma_semaphore, #tpu.memory_space<semaphore_mem>>)
    %dma_wait3A_55 = tpu.memref_slice %arg2[%mul3A_2] : memref<102400000xf32, #tpu.memory_space<hbm>> -> memref<16000xf32, #tpu.memory_space<hbm>>
    %dma_wait3A_56 = tpu.memref_slice %arg2[%mul3A_2] : memref<102400000xf32, #tpu.memory_space<hbm>> -> memref<16000xf32, #tpu.memory_space<hbm>>
    tpu.wait_dma2 semaphore(%arg19 : memref<!tpu.dma_semaphore, #tpu.memory_space<semaphore_mem>>) src(%dma_wait3A_56 : memref<16000xf32, #tpu.memory_space<hbm>>) dst(%arg8 : memref<16000xf32, #tpu.memory_space<vmem>>)
    %parallel_loop3A_57 = arith.constant 0 : i32
    %parallel_loop3A_58 = arith.constant 16000 : i32
    %parallel_loop3A_59 = arith.constant 16 : i32
    scf.for %parallel_loop3A_202 = %parallel_loop3A_57 to %parallel_loop3A_58 step %parallel_loop3A_59  : i32 {
      %parallel_loop3A_203 = arith.index_cast %parallel_loop3A_202 : i32 to index
      %parallel_loop3A_204 = tpu.vector_load %arg8[%parallel_loop3A_203] {strides = array<i32>} : memref<16000xf32, #tpu.memory_space<vmem>>, vector<16xf32>,
      %parallel_loop3A_205 = vector.shape_cast %parallel_loop3A_204 : vector<16xf32> to vector<16xf32>
      %parallel_loop3A_206 = arith.constant 6.400000e+01 : f32
      %parallel_loop3A_207 = vector.broadcast %parallel_loop3A_206 : f32 to vector<16xf32>
      %parallel_loop3A_208 = arith.mulf %parallel_loop3A_205, %parallel_loop3A_207 : vector<16xf32>
      %parallel_loop3A_209 = arith.index_cast %parallel_loop3A_202 : i32 to index
      %parallel_loop3A_210 = tpu.vector_load %arg12[%parallel_loop3A_209] {strides = array<i32>} : memref<16000xf32, #tpu.memory_space<vmem>>, vector<16xf32>,
      %parallel_loop3A_211 = vector.shape_cast %parallel_loop3A_210 : vector<16xf32> to vector<16xf32>
      %parallel_loop3A_212 = vector.shape_cast %parallel_loop3A_208 : vector<16xf32> to vector<16xf32>
      tpu.vector_store %arg12[%parallel_loop3A_209], %parallel_loop3A_212 {strides = array<i32>} : memref<16000xf32, #tpu.memory_space<vmem>>, vector<16xf32>,
    } {sc.loop_unroll_factor = 8 : i64, sc.parallel_access}
    %add3A_60 = arith.constant 48000 : i32
    %add3A_61 = arith.addi %mul3A_2, %add3A_60 : i32
    %dma_start3A_62 = tpu.memref_slice %arg4[%add3A_61] : memref<102400000xf32, #tpu.memory_space<hbm>> -> memref<16000xf32, #tpu.memory_space<hbm>>
    %dma_start3A_63 = tpu.memref_slice %arg4[%add3A_61] : memref<102400000xf32, #tpu.memory_space<hbm>> -> memref<16000xf32, #tpu.memory_space<hbm>>
    tpu.enqueue_dma source(%arg12 : memref<16000xf32, #tpu.memory_space<vmem>>) target(%dma_start3A_63 : memref<16000xf32, #tpu.memory_space<hbm>>) target_semaphore(%arg23 : memref<!tpu.dma_semaphore, #tpu.memory_space<semaphore_mem>>)
    %add3A_64 = arith.constant 112000 : i32
    %add3A_65 = arith.addi %mul3A_2, %add3A_64 : i32
    %dma_start3A_66 = tpu.memref_slice %arg2[%add3A_65] : memref<102400000xf32, #tpu.memory_space<hbm>> -> memref<16000xf32, #tpu.memory_space<hbm>>
    %dma_start3A_67 = tpu.memref_slice %arg2[%add3A_65] : memref<102400000xf32, #tpu.memory_space<hbm>> -> memref<16000xf32, #tpu.memory_space<hbm>>
    tpu.enqueue_dma source(%dma_start3A_67 : memref<16000xf32, #tpu.memory_space<hbm>>) target(%arg8 : memref<16000xf32, #tpu.memory_space<vmem>>) target_semaphore(%arg19 : memref<!tpu.dma_semaphore, #tpu.memory_space<semaphore_mem>>)
    %scan3A = arith.constant 0 : i32
    %scan3A_68 = arith.constant 1 : i32
    %scan3A_69 = arith.constant 48 : i32
    %scan3A_70 = arith.addi %scan3A_68, %scan3A_69 : i32
    %scan3A_71 = arith.constant 1 : i32
    scf.for %scan3A_202 = %scan3A_68 to %scan3A_70 step %scan3A_71  : i32 {
      %mul3A_203 = arith.constant 4 : i32
      %mul3A_204 = arith.muli %scan3A_202, %mul3A_203 : i32
      %add3A_205 = arith.constant 0 : i32
      %add3A_206 = arith.addi %mul3A_204, %add3A_205 : i32
      %dma_wait3A_207 = tpu.memref_slice %arg2[%mul3A_2] : memref<102400000xf32, #tpu.memory_space<hbm>> -> memref<16000xf32, #tpu.memory_space<hbm>>
      %dma_wait3A_208 = tpu.memref_slice %arg2[%mul3A_2] : memref<102400000xf32, #tpu.memory_space<hbm>> -> memref<16000xf32, #tpu.memory_space<hbm>>
      tpu.wait_dma2 semaphore(%arg16 : memref<!tpu.dma_semaphore, #tpu.memory_space<semaphore_mem>>) src(%dma_wait3A_208 : memref<16000xf32, #tpu.memory_space<hbm>>) dst(%arg5 : memref<16000xf32, #tpu.memory_space<vmem>>)
      %dma_wait3A_209 = tpu.memref_slice %arg4[%mul3A_2] : memref<102400000xf32, #tpu.memory_space<hbm>> -> memref<16000xf32, #tpu.memory_space<hbm>>
      %dma_wait3A_210 = tpu.memref_slice %arg4[%mul3A_2] : memref<102400000xf32, #tpu.memory_space<hbm>> -> memref<16000xf32, #tpu.memory_space<hbm>>
      tpu.wait_dma2 semaphore(%arg20 : memref<!tpu.dma_semaphore, #tpu.memory_space<semaphore_mem>>) src(%arg9 : memref<16000xf32, #tpu.memory_space<vmem>>) dst(%dma_wait3A_210 : memref<16000xf32, #tpu.memory_space<hbm>>)
      %parallel_loop3A_211 = arith.constant 0 : i32
      %parallel_loop3A_212 = arith.constant 16000 : i32
      %parallel_loop3A_213 = arith.constant 16 : i32
      scf.for %parallel_loop3A_295 = %parallel_loop3A_211 to %parallel_loop3A_212 step %parallel_loop3A_213  : i32 {
        %parallel_loop3A_296 = arith.index_cast %parallel_loop3A_295 : i32 to index
        %parallel_loop3A_297 = tpu.vector_load %arg5[%parallel_loop3A_296] {strides = array<i32>} : memref<16000xf32, #tpu.memory_space<vmem>>, vector<16xf32>,
        %parallel_loop3A_298 = vector.shape_cast %parallel_loop3A_297 : vector<16xf32> to vector<16xf32>
        %parallel_loop3A_299 = arith.constant 6.400000e+01 : f32
        %parallel_loop3A_300 = vector.broadcast %parallel_loop3A_299 : f32 to vector<16xf32>
        %parallel_loop3A_301 = arith.mulf %parallel_loop3A_298, %parallel_loop3A_300 : vector<16xf32>
        %parallel_loop3A_302 = arith.index_cast %parallel_loop3A_295 : i32 to index
        %parallel_loop3A_303 = tpu.vector_load %arg9[%parallel_loop3A_302] {strides = array<i32>} : memref<16000xf32, #tpu.memory_space<vmem>>, vector<16xf32>,
        %parallel_loop3A_304 = vector.shape_cast %parallel_loop3A_303 : vector<16xf32> to vector<16xf32>
        %parallel_loop3A_305 = vector.shape_cast %parallel_loop3A_301 : vector<16xf32> to vector<16xf32>
        tpu.vector_store %arg9[%parallel_loop3A_302], %parallel_loop3A_305 {strides = array<i32>} : memref<16000xf32, #tpu.memory_space<vmem>>, vector<16xf32>,
      } {sc.loop_unroll_factor = 8 : i64, sc.parallel_access}
      %mul3A_214 = arith.constant 16000 : i32
      %mul3A_215 = arith.muli %add3A_206, %mul3A_214 : i32
      %add3A_216 = arith.addi %mul3A_2, %mul3A_215 : i32
      %dma_start3A_217 = tpu.memref_slice %arg4[%add3A_216] : memref<102400000xf32, #tpu.memory_space<hbm>> -> memref<16000xf32, #tpu.memory_space<hbm>>
      %dma_start3A_218 = tpu.memref_slice %arg4[%add3A_216] : memref<102400000xf32, #tpu.memory_space<hbm>> -> memref<16000xf32, #tpu.memory_space<hbm>>
      tpu.enqueue_dma source(%arg9 : memref<16000xf32, #tpu.memory_space<vmem>>) target(%dma_start3A_218 : memref<16000xf32, #tpu.memory_space<hbm>>) target_semaphore(%arg20 : memref<!tpu.dma_semaphore, #tpu.memory_space<semaphore_mem>>)
      %add3A_219 = arith.constant 4 : i32
      %add3A_220 = arith.addi %add3A_206, %add3A_219 : i32
      %mul3A_221 = arith.constant 16000 : i32
      %mul3A_222 = arith.muli %add3A_220, %mul3A_221 : i32
      %add3A_223 = arith.addi %mul3A_2, %mul3A_222 : i32
      %dma_start3A_224 = tpu.memref_slice %arg2[%add3A_223] : memref<102400000xf32, #tpu.memory_space<hbm>> -> memref<16000xf32, #tpu.memory_space<hbm>>
      %dma_start3A_225 = tpu.memref_slice %arg2[%add3A_223] : memref<102400000xf32, #tpu.memory_space<hbm>> -> memref<16000xf32, #tpu.memory_space<hbm>>
      tpu.enqueue_dma source(%dma_start3A_225 : memref<16000xf32, #tpu.memory_space<hbm>>) target(%arg5 : memref<16000xf32, #tpu.memory_space<vmem>>) target_semaphore(%arg16 : memref<!tpu.dma_semaphore, #tpu.memory_space<semaphore_mem>>)
      %mul3A_226 = arith.constant 4 : i32
      %mul3A_227 = arith.muli %scan3A_202, %mul3A_226 : i32
      %add3A_228 = arith.constant 1 : i32
      %add3A_229 = arith.addi %mul3A_227, %add3A_228 : i32
      %dma_wait3A_230 = tpu.memref_slice %arg2[%mul3A_2] : memref<102400000xf32, #tpu.memory_space<hbm>> -> memref<16000xf32, #tpu.memory_space<hbm>>
      %dma_wait3A_231 = tpu.memref_slice %arg2[%mul3A_2] : memref<102400000xf32, #tpu.memory_space<hbm>> -> memref<16000xf32, #tpu.memory_space<hbm>>
      tpu.wait_dma2 semaphore(%arg17 : memref<!tpu.dma_semaphore, #tpu.memory_space<semaphore_mem>>) src(%dma_wait3A_231 : memref<16000xf32, #tpu.memory_space<hbm>>) dst(%arg6 : memref<16000xf32, #tpu.memory_space<vmem>>)
      %dma_wait3A_232 = tpu.memref_slice %arg4[%mul3A_2] : memref<102400000xf32, #tpu.memory_space<hbm>> -> memref<16000xf32, #tpu.memory_space<hbm>>
      %dma_wait3A_233 = tpu.memref_slice %arg4[%mul3A_2] : memref<102400000xf32, #tpu.memory_space<hbm>> -> memref<16000xf32, #tpu.memory_space<hbm>>
      tpu.wait_dma2 semaphore(%arg21 : memref<!tpu.dma_semaphore, #tpu.memory_space<semaphore_mem>>) src(%arg10 : memref<16000xf32, #tpu.memory_space<vmem>>) dst(%dma_wait3A_233 : memref<16000xf32, #tpu.memory_space<hbm>>)
      %parallel_loop3A_234 = arith.constant 0 : i32
      %parallel_loop3A_235 = arith.constant 16000 : i32
      %parallel_loop3A_236 = arith.constant 16 : i32
      scf.for %parallel_loop3A_295 = %parallel_loop3A_234 to %parallel_loop3A_235 step %parallel_loop3A_236  : i32 {
        %parallel_loop3A_296 = arith.index_cast %parallel_loop3A_295 : i32 to index
        %parallel_loop3A_297 = tpu.vector_load %arg6[%parallel_loop3A_296] {strides = array<i32>} : memref<16000xf32, #tpu.memory_space<vmem>>, vector<16xf32>,
        %parallel_loop3A_298 = vector.shape_cast %parallel_loop3A_297 : vector<16xf32> to vector<16xf32>
        %parallel_loop3A_299 = arith.constant 6.400000e+01 : f32
        %parallel_loop3A_300 = vector.broadcast %parallel_loop3A_299 : f32 to vector<16xf32>
        %parallel_loop3A_301 = arith.mulf %parallel_loop3A_298, %parallel_loop3A_300 : vector<16xf32>
        %parallel_loop3A_302 = arith.index_cast %parallel_loop3A_295 : i32 to index
        %parallel_loop3A_303 = tpu.vector_load %arg10[%parallel_loop3A_302] {strides = array<i32>} : memref<16000xf32, #tpu.memory_space<vmem>>, vector<16xf32>,
        %parallel_loop3A_304 = vector.shape_cast %parallel_loop3A_303 : vector<16xf32> to vector<16xf32>
        %parallel_loop3A_305 = vector.shape_cast %parallel_loop3A_301 : vector<16xf32> to vector<16xf32>
        tpu.vector_store %arg10[%parallel_loop3A_302], %parallel_loop3A_305 {strides = array<i32>} : memref<16000xf32, #tpu.memory_space<vmem>>, vector<16xf32>,
      } {sc.loop_unroll_factor = 8 : i64, sc.parallel_access}
      %mul3A_237 = arith.constant 16000 : i32
      %mul3A_238 = arith.muli %add3A_229, %mul3A_237 : i32
      %add3A_239 = arith.addi %mul3A_2, %mul3A_238 : i32
      %dma_start3A_240 = tpu.memref_slice %arg4[%add3A_239] : memref<102400000xf32, #tpu.memory_space<hbm>> -> memref<16000xf32, #tpu.memory_space<hbm>>
      %dma_start3A_241 = tpu.memref_slice %arg4[%add3A_239] : memref<102400000xf32, #tpu.memory_space<hbm>> -> memref<16000xf32, #tpu.memory_space<hbm>>
      tpu.enqueue_dma source(%arg10 : memref<16000xf32, #tpu.memory_space<vmem>>) target(%dma_start3A_241 : memref<16000xf32, #tpu.memory_space<hbm>>) target_semaphore(%arg21 : memref<!tpu.dma_semaphore, #tpu.memory_space<semaphore_mem>>)
      %add3A_242 = arith.constant 4 : i32
      %add3A_243 = arith.addi %add3A_229, %add3A_242 : i32
      %mul3A_244 = arith.constant 16000 : i32
      %mul3A_245 = arith.muli %add3A_243, %mul3A_244 : i32
      %add3A_246 = arith.addi %mul3A_2, %mul3A_245 : i32
      %dma_start3A_247 = tpu.memref_slice %arg2[%add3A_246] : memref<102400000xf32, #tpu.memory_space<hbm>> -> memref<16000xf32, #tpu.memory_space<hbm>>
      %dma_start3A_248 = tpu.memref_slice %arg2[%add3A_246] : memref<102400000xf32, #tpu.memory_space<hbm>> -> memref<16000xf32, #tpu.memory_space<hbm>>
      tpu.enqueue_dma source(%dma_start3A_248 : memref<16000xf32, #tpu.memory_space<hbm>>) target(%arg6 : memref<16000xf32, #tpu.memory_space<vmem>>) target_semaphore(%arg17 : memref<!tpu.dma_semaphore, #tpu.memory_space<semaphore_mem>>)
      %mul3A_249 = arith.constant 4 : i32
      %mul3A_250 = arith.muli %scan3A_202, %mul3A_249 : i32
      %add3A_251 = arith.constant 2 : i32
      %add3A_252 = arith.addi %mul3A_250, %add3A_251 : i32
      %dma_wait3A_253 = tpu.memref_slice %arg2[%mul3A_2] : memref<102400000xf32, #tpu.memory_space<hbm>> -> memref<16000xf32, #tpu.memory_space<hbm>>
      %dma_wait3A_254 = tpu.memref_slice %arg2[%mul3A_2] : memref<102400000xf32, #tpu.memory_space<hbm>> -> memref<16000xf32, #tpu.memory_space<hbm>>
      tpu.wait_dma2 semaphore(%arg18 : memref<!tpu.dma_semaphore, #tpu.memory_space<semaphore_mem>>) src(%dma_wait3A_254 : memref<16000xf32, #tpu.memory_space<hbm>>) dst(%arg7 : memref<16000xf32, #tpu.memory_space<vmem>>)
      %dma_wait3A_255 = tpu.memref_slice %arg4[%mul3A_2] : memref<102400000xf32, #tpu.memory_space<hbm>> -> memref<16000xf32, #tpu.memory_space<hbm>>
      %dma_wait3A_256 = tpu.memref_slice %arg4[%mul3A_2] : memref<102400000xf32, #tpu.memory_space<hbm>> -> memref<16000xf32, #tpu.memory_space<hbm>>
      tpu.wait_dma2 semaphore(%arg22 : memref<!tpu.dma_semaphore, #tpu.memory_space<semaphore_mem>>) src(%arg11 : memref<16000xf32, #tpu.memory_space<vmem>>) dst(%dma_wait3A_256 : memref<16000xf32, #tpu.memory_space<hbm>>)
      %parallel_loop3A_257 = arith.constant 0 : i32
      %parallel_loop3A_258 = arith.constant 16000 : i32
      %parallel_loop3A_259 = arith.constant 16 : i32
      scf.for %parallel_loop3A_295 = %parallel_loop3A_257 to %parallel_loop3A_258 step %parallel_loop3A_259  : i32 {
        %parallel_loop3A_296 = arith.index_cast %parallel_loop3A_295 : i32 to index
        %parallel_loop3A_297 = tpu.vector_load %arg7[%parallel_loop3A_296] {strides = array<i32>} : memref<16000xf32, #tpu.memory_space<vmem>>, vector<16xf32>,
        %parallel_loop3A_298 = vector.shape_cast %parallel_loop3A_297 : vector<16xf32> to vector<16xf32>
        %parallel_loop3A_299 = arith.constant 6.400000e+01 : f32
        %parallel_loop3A_300 = vector.broadcast %parallel_loop3A_299 : f32 to vector<16xf32>
        %parallel_loop3A_301 = arith.mulf %parallel_loop3A_298, %parallel_loop3A_300 : vector<16xf32>
        %parallel_loop3A_302 = arith.index_cast %parallel_loop3A_295 : i32 to index
        %parallel_loop3A_303 = tpu.vector_load %arg11[%parallel_loop3A_302] {strides = array<i32>} : memref<16000xf32, #tpu.memory_space<vmem>>, vector<16xf32>,
        %parallel_loop3A_304 = vector.shape_cast %parallel_loop3A_303 : vector<16xf32> to vector<16xf32>
        %parallel_loop3A_305 = vector.shape_cast %parallel_loop3A_301 : vector<16xf32> to vector<16xf32>
        tpu.vector_store %arg11[%parallel_loop3A_302], %parallel_loop3A_305 {strides = array<i32>} : memref<16000xf32, #tpu.memory_space<vmem>>, vector<16xf32>,
      } {sc.loop_unroll_factor = 8 : i64, sc.parallel_access}
      %mul3A_260 = arith.constant 16000 : i32
      %mul3A_261 = arith.muli %add3A_252, %mul3A_260 : i32
      %add3A_262 = arith.addi %mul3A_2, %mul3A_261 : i32
      %dma_start3A_263 = tpu.memref_slice %arg4[%add3A_262] : memref<102400000xf32, #tpu.memory_space<hbm>> -> memref<16000xf32, #tpu.memory_space<hbm>>
      %dma_start3A_264 = tpu.memref_slice %arg4[%add3A_262] : memref<102400000xf32, #tpu.memory_space<hbm>> -> memref<16000xf32, #tpu.memory_space<hbm>>
      tpu.enqueue_dma source(%arg11 : memref<16000xf32, #tpu.memory_space<vmem>>) target(%dma_start3A_264 : memref<16000xf32, #tpu.memory_space<hbm>>) target_semaphore(%arg22 : memref<!tpu.dma_semaphore, #tpu.memory_space<semaphore_mem>>)
      %add3A_265 = arith.constant 4 : i32
      %add3A_266 = arith.addi %add3A_252, %add3A_265 : i32
      %mul3A_267 = arith.constant 16000 : i32
      %mul3A_268 = arith.muli %add3A_266, %mul3A_267 : i32
      %add3A_269 = arith.addi %mul3A_2, %mul3A_268 : i32
      %dma_start3A_270 = tpu.memref_slice %arg2[%add3A_269] : memref<102400000xf32, #tpu.memory_space<hbm>> -> memref<16000xf32, #tpu.memory_space<hbm>>
      %dma_start3A_271 = tpu.memref_slice %arg2[%add3A_269] : memref<102400000xf32, #tpu.memory_space<hbm>> -> memref<16000xf32, #tpu.memory_space<hbm>>
      tpu.enqueue_dma source(%dma_start3A_271 : memref<16000xf32, #tpu.memory_space<hbm>>) target(%arg7 : memref<16000xf32, #tpu.memory_space<vmem>>) target_semaphore(%arg18 : memref<!tpu.dma_semaphore, #tpu.memory_space<semaphore_mem>>)
      %mul3A_272 = arith.constant 4 : i32
      %mul3A_273 = arith.muli %scan3A_202, %mul3A_272 : i32
      %add3A_274 = arith.constant 3 : i32
      %add3A_275 = arith.addi %mul3A_273, %add3A_274 : i32
      %dma_wait3A_276 = tpu.memref_slice %arg2[%mul3A_2] : memref<102400000xf32, #tpu.memory_space<hbm>> -> memref<16000xf32, #tpu.memory_space<hbm>>
      %dma_wait3A_277 = tpu.memref_slice %arg2[%mul3A_2] : memref<102400000xf32, #tpu.memory_space<hbm>> -> memref<16000xf32, #tpu.memory_space<hbm>>
      tpu.wait_dma2 semaphore(%arg19 : memref<!tpu.dma_semaphore, #tpu.memory_space<semaphore_mem>>) src(%dma_wait3A_277 : memref<16000xf32, #tpu.memory_space<hbm>>) dst(%arg8 : memref<16000xf32, #tpu.memory_space<vmem>>)
      %dma_wait3A_278 = tpu.memref_slice %arg4[%mul3A_2] : memref<102400000xf32, #tpu.memory_space<hbm>> -> memref<16000xf32, #tpu.memory_space<hbm>>
      %dma_wait3A_279 = tpu.memref_slice %arg4[%mul3A_2] : memref<102400000xf32, #tpu.memory_space<hbm>> -> memref<16000xf32, #tpu.memory_space<hbm>>
      tpu.wait_dma2 semaphore(%arg23 : memref<!tpu.dma_semaphore, #tpu.memory_space<semaphore_mem>>) src(%arg12 : memref<16000xf32, #tpu.memory_space<vmem>>) dst(%dma_wait3A_279 : memref<16000xf32, #tpu.memory_space<hbm>>)
      %parallel_loop3A_280 = arith.constant 0 : i32
      %parallel_loop3A_281 = arith.constant 16000 : i32
      %parallel_loop3A_282 = arith.constant 16 : i32
      scf.for %parallel_loop3A_295 = %parallel_loop3A_280 to %parallel_loop3A_281 step %parallel_loop3A_282  : i32 {
        %parallel_loop3A_296 = arith.index_cast %parallel_loop3A_295 : i32 to index
        %parallel_loop3A_297 = tpu.vector_load %arg8[%parallel_loop3A_296] {strides = array<i32>} : memref<16000xf32, #tpu.memory_space<vmem>>, vector<16xf32>,
        %parallel_loop3A_298 = vector.shape_cast %parallel_loop3A_297 : vector<16xf32> to vector<16xf32>
        %parallel_loop3A_299 = arith.constant 6.400000e+01 : f32
        %parallel_loop3A_300 = vector.broadcast %parallel_loop3A_299 : f32 to vector<16xf32>
        %parallel_loop3A_301 = arith.mulf %parallel_loop3A_298, %parallel_loop3A_300 : vector<16xf32>
        %parallel_loop3A_302 = arith.index_cast %parallel_loop3A_295 : i32 to index
        %parallel_loop3A_303 = tpu.vector_load %arg12[%parallel_loop3A_302] {strides = array<i32>} : memref<16000xf32, #tpu.memory_space<vmem>>, vector<16xf32>,
        %parallel_loop3A_304 = vector.shape_cast %parallel_loop3A_303 : vector<16xf32> to vector<16xf32>
        %parallel_loop3A_305 = vector.shape_cast %parallel_loop3A_301 : vector<16xf32> to vector<16xf32>
        tpu.vector_store %arg12[%parallel_loop3A_302], %parallel_loop3A_305 {strides = array<i32>} : memref<16000xf32, #tpu.memory_space<vmem>>, vector<16xf32>,
      } {sc.loop_unroll_factor = 8 : i64, sc.parallel_access}
      %mul3A_283 = arith.constant 16000 : i32
      %mul3A_284 = arith.muli %add3A_275, %mul3A_283 : i32
      %add3A_285 = arith.addi %mul3A_2, %mul3A_284 : i32
      %dma_start3A_286 = tpu.memref_slice %arg4[%add3A_285] : memref<102400000xf32, #tpu.memory_space<hbm>> -> memref<16000xf32, #tpu.memory_space<hbm>>
      %dma_start3A_287 = tpu.memref_slice %arg4[%add3A_285] : memref<102400000xf32, #tpu.memory_space<hbm>> -> memref<16000xf32, #tpu.memory_space<hbm>>
      tpu.enqueue_dma source(%arg12 : memref<16000xf32, #tpu.memory_space<vmem>>) target(%dma_start3A_287 : memref<16000xf32, #tpu.memory_space<hbm>>) target_semaphore(%arg23 : memref<!tpu.dma_semaphore, #tpu.memory_space<semaphore_mem>>)
      %add3A_288 = arith.constant 4 : i32
      %add3A_289 = arith.addi %add3A_275, %add3A_288 : i32
      %mul3A_290 = arith.constant 16000 : i32
      %mul3A_291 = arith.muli %add3A_289, %mul3A_290 : i32
      %add3A_292 = arith.addi %mul3A_2, %mul3A_291 : i32
      %dma_start3A_293 = tpu.memref_slice %arg2[%add3A_292] : memref<102400000xf32, #tpu.memory_space<hbm>> -> memref<16000xf32, #tpu.memory_space<hbm>>
      %dma_start3A_294 = tpu.memref_slice %arg2[%add3A_292] : memref<102400000xf32, #tpu.memory_space<hbm>> -> memref<16000xf32, #tpu.memory_space<hbm>>
      tpu.enqueue_dma source(%dma_start3A_294 : memref<16000xf32, #tpu.memory_space<hbm>>) target(%arg8 : memref<16000xf32, #tpu.memory_space<vmem>>) target_semaphore(%arg19 : memref<!tpu.dma_semaphore, #tpu.memory_space<semaphore_mem>>)
    }
    %scan3A_72 = arith.constant 48 : i32
    %dma_wait3A_73 = tpu.memref_slice %arg2[%mul3A_2] : memref<102400000xf32, #tpu.memory_space<hbm>> -> memref<16000xf32, #tpu.memory_space<hbm>>
    %dma_wait3A_74 = tpu.memref_slice %arg2[%mul3A_2] : memref<102400000xf32, #tpu.memory_space<hbm>> -> memref<16000xf32, #tpu.memory_space<hbm>>
    tpu.wait_dma2 semaphore(%arg16 : memref<!tpu.dma_semaphore, #tpu.memory_space<semaphore_mem>>) src(%dma_wait3A_74 : memref<16000xf32, #tpu.memory_space<hbm>>) dst(%arg5 : memref<16000xf32, #tpu.memory_space<vmem>>)
    %dma_wait3A_75 = tpu.memref_slice %arg4[%mul3A_2] : memref<102400000xf32, #tpu.memory_space<hbm>> -> memref<16000xf32, #tpu.memory_space<hbm>>
    %dma_wait3A_76 = tpu.memref_slice %arg4[%mul3A_2] : memref<102400000xf32, #tpu.memory_space<hbm>> -> memref<16000xf32, #tpu.memory_space<hbm>>
    tpu.wait_dma2 semaphore(%arg20 : memref<!tpu.dma_semaphore, #tpu.memory_space<semaphore_mem>>) src(%arg9 : memref<16000xf32, #tpu.memory_space<vmem>>) dst(%dma_wait3A_76 : memref<16000xf32, #tpu.memory_space<hbm>>)
    %parallel_loop3A_77 = arith.constant 0 : i32
    %parallel_loop3A_78 = arith.constant 16000 : i32
    %parallel_loop3A_79 = arith.constant 16 : i32
    scf.for %parallel_loop3A_202 = %parallel_loop3A_77 to %parallel_loop3A_78 step %parallel_loop3A_79  : i32 {
      %parallel_loop3A_203 = arith.index_cast %parallel_loop3A_202 : i32 to index
      %parallel_loop3A_204 = tpu.vector_load %arg5[%parallel_loop3A_203] {strides = array<i32>} : memref<16000xf32, #tpu.memory_space<vmem>>, vector<16xf32>,
      %parallel_loop3A_205 = vector.shape_cast %parallel_loop3A_204 : vector<16xf32> to vector<16xf32>
      %parallel_loop3A_206 = arith.constant 6.400000e+01 : f32
      %parallel_loop3A_207 = vector.broadcast %parallel_loop3A_206 : f32 to vector<16xf32>
      %parallel_loop3A_208 = arith.mulf %parallel_loop3A_205, %parallel_loop3A_207 : vector<16xf32>
      %parallel_loop3A_209 = arith.index_cast %parallel_loop3A_202 : i32 to index
      %parallel_loop3A_210 = tpu.vector_load %arg9[%parallel_loop3A_209] {strides = array<i32>} : memref<16000xf32, #tpu.memory_space<vmem>>, vector<16xf32>,
      %parallel_loop3A_211 = vector.shape_cast %parallel_loop3A_210 : vector<16xf32> to vector<16xf32>
      %parallel_loop3A_212 = vector.shape_cast %parallel_loop3A_208 : vector<16xf32> to vector<16xf32>
      tpu.vector_store %arg9[%parallel_loop3A_209], %parallel_loop3A_212 {strides = array<i32>} : memref<16000xf32, #tpu.memory_space<vmem>>, vector<16xf32>,
    } {sc.loop_unroll_factor = 8 : i64, sc.parallel_access}
    %add3A_80 = arith.constant 3136000 : i32
    %add3A_81 = arith.addi %mul3A_2, %add3A_80 : i32
    %dma_start3A_82 = tpu.memref_slice %arg4[%add3A_81] : memref<102400000xf32, #tpu.memory_space<hbm>> -> memref<16000xf32, #tpu.memory_space<hbm>>
    %dma_start3A_83 = tpu.memref_slice %arg4[%add3A_81] : memref<102400000xf32, #tpu.memory_space<hbm>> -> memref<16000xf32, #tpu.memory_space<hbm>>
    tpu.enqueue_dma source(%arg9 : memref<16000xf32, #tpu.memory_space<vmem>>) target(%dma_start3A_83 : memref<16000xf32, #tpu.memory_space<hbm>>) target_semaphore(%arg20 : memref<!tpu.dma_semaphore, #tpu.memory_space<semaphore_mem>>)
    %dma_wait3A_84 = tpu.memref_slice %arg2[%mul3A_2] : memref<102400000xf32, #tpu.memory_space<hbm>> -> memref<16000xf32, #tpu.memory_space<hbm>>
    %dma_wait3A_85 = tpu.memref_slice %arg2[%mul3A_2] : memref<102400000xf32, #tpu.memory_space<hbm>> -> memref<16000xf32, #tpu.memory_space<hbm>>
    tpu.wait_dma2 semaphore(%arg17 : memref<!tpu.dma_semaphore, #tpu.memory_space<semaphore_mem>>) src(%dma_wait3A_85 : memref<16000xf32, #tpu.memory_space<hbm>>) dst(%arg6 : memref<16000xf32, #tpu.memory_space<vmem>>)
    %dma_wait3A_86 = tpu.memref_slice %arg4[%mul3A_2] : memref<102400000xf32, #tpu.memory_space<hbm>> -> memref<16000xf32, #tpu.memory_space<hbm>>
    %dma_wait3A_87 = tpu.memref_slice %arg4[%mul3A_2] : memref<102400000xf32, #tpu.memory_space<hbm>> -> memref<16000xf32, #tpu.memory_space<hbm>>
    tpu.wait_dma2 semaphore(%arg21 : memref<!tpu.dma_semaphore, #tpu.memory_space<semaphore_mem>>) src(%arg10 : memref<16000xf32, #tpu.memory_space<vmem>>) dst(%dma_wait3A_87 : memref<16000xf32, #tpu.memory_space<hbm>>)
    %parallel_loop3A_88 = arith.constant 0 : i32
    %parallel_loop3A_89 = arith.constant 16000 : i32
    %parallel_loop3A_90 = arith.constant 16 : i32
    scf.for %parallel_loop3A_202 = %parallel_loop3A_88 to %parallel_loop3A_89 step %parallel_loop3A_90  : i32 {
      %parallel_loop3A_203 = arith.index_cast %parallel_loop3A_202 : i32 to index
      %parallel_loop3A_204 = tpu.vector_load %arg6[%parallel_loop3A_203] {strides = array<i32>} : memref<16000xf32, #tpu.memory_space<vmem>>, vector<16xf32>,
      %parallel_loop3A_205 = vector.shape_cast %parallel_loop3A_204 : vector<16xf32> to vector<16xf32>
      %parallel_loop3A_206 = arith.constant 6.400000e+01 : f32
      %parallel_loop3A_207 = vector.broadcast %parallel_loop3A_206 : f32 to vector<16xf32>
      %parallel_loop3A_208 = arith.mulf %parallel_loop3A_205, %parallel_loop3A_207 : vector<16xf32>
      %parallel_loop3A_209 = arith.index_cast %parallel_loop3A_202 : i32 to index
      %parallel_loop3A_210 = tpu.vector_load %arg10[%parallel_loop3A_209] {strides = array<i32>} : memref<16000xf32, #tpu.memory_space<vmem>>, vector<16xf32>,
      %parallel_loop3A_211 = vector.shape_cast %parallel_loop3A_210 : vector<16xf32> to vector<16xf32>
      %parallel_loop3A_212 = vector.shape_cast %parallel_loop3A_208 : vector<16xf32> to vector<16xf32>
      tpu.vector_store %arg10[%parallel_loop3A_209], %parallel_loop3A_212 {strides = array<i32>} : memref<16000xf32, #tpu.memory_space<vmem>>, vector<16xf32>,
    } {sc.loop_unroll_factor = 8 : i64, sc.parallel_access}
    %add3A_91 = arith.constant 3152000 : i32
    %add3A_92 = arith.addi %mul3A_2, %add3A_91 : i32
    %dma_start3A_93 = tpu.memref_slice %arg4[%add3A_92] : memref<102400000xf32, #tpu.memory_space<hbm>> -> memref<16000xf32, #tpu.memory_space<hbm>>
    %dma_start3A_94 = tpu.memref_slice %arg4[%add3A_92] : memref<102400000xf32, #tpu.memory_space<hbm>> -> memref<16000xf32, #tpu.memory_space<hbm>>
    tpu.enqueue_dma source(%arg10 : memref<16000xf32, #tpu.memory_space<vmem>>) target(%dma_start3A_94 : memref<16000xf32, #tpu.memory_space<hbm>>) target_semaphore(%arg21 : memref<!tpu.dma_semaphore, #tpu.memory_space<semaphore_mem>>)
    %dma_wait3A_95 = tpu.memref_slice %arg2[%mul3A_2] : memref<102400000xf32, #tpu.memory_space<hbm>> -> memref<16000xf32, #tpu.memory_space<hbm>>
    %dma_wait3A_96 = tpu.memref_slice %arg2[%mul3A_2] : memref<102400000xf32, #tpu.memory_space<hbm>> -> memref<16000xf32, #tpu.memory_space<hbm>>
    tpu.wait_dma2 semaphore(%arg18 : memref<!tpu.dma_semaphore, #tpu.memory_space<semaphore_mem>>) src(%dma_wait3A_96 : memref<16000xf32, #tpu.memory_space<hbm>>) dst(%arg7 : memref<16000xf32, #tpu.memory_space<vmem>>)
    %dma_wait3A_97 = tpu.memref_slice %arg4[%mul3A_2] : memref<102400000xf32, #tpu.memory_space<hbm>> -> memref<16000xf32, #tpu.memory_space<hbm>>
    %dma_wait3A_98 = tpu.memref_slice %arg4[%mul3A_2] : memref<102400000xf32, #tpu.memory_space<hbm>> -> memref<16000xf32, #tpu.memory_space<hbm>>
    tpu.wait_dma2 semaphore(%arg22 : memref<!tpu.dma_semaphore, #tpu.memory_space<semaphore_mem>>) src(%arg11 : memref<16000xf32, #tpu.memory_space<vmem>>) dst(%dma_wait3A_98 : memref<16000xf32, #tpu.memory_space<hbm>>)
    %parallel_loop3A_99 = arith.constant 0 : i32
    %parallel_loop3A_100 = arith.constant 16000 : i32
    %parallel_loop3A_101 = arith.constant 16 : i32
    scf.for %parallel_loop3A_202 = %parallel_loop3A_99 to %parallel_loop3A_100 step %parallel_loop3A_101  : i32 {
      %parallel_loop3A_203 = arith.index_cast %parallel_loop3A_202 : i32 to index
      %parallel_loop3A_204 = tpu.vector_load %arg7[%parallel_loop3A_203] {strides = array<i32>} : memref<16000xf32, #tpu.memory_space<vmem>>, vector<16xf32>,
      %parallel_loop3A_205 = vector.shape_cast %parallel_loop3A_204 : vector<16xf32> to vector<16xf32>
      %parallel_loop3A_206 = arith.constant 6.400000e+01 : f32
      %parallel_loop3A_207 = vector.broadcast %parallel_loop3A_206 : f32 to vector<16xf32>
      %parallel_loop3A_208 = arith.mulf %parallel_loop3A_205, %parallel_loop3A_207 : vector<16xf32>
      %parallel_loop3A_209 = arith.index_cast %parallel_loop3A_202 : i32 to index
      %parallel_loop3A_210 = tpu.vector_load %arg11[%parallel_loop3A_209] {strides = array<i32>} : memref<16000xf32, #tpu.memory_space<vmem>>, vector<16xf32>,
      %parallel_loop3A_211 = vector.shape_cast %parallel_loop3A_210 : vector<16xf32> to vector<16xf32>
      %parallel_loop3A_212 = vector.shape_cast %parallel_loop3A_208 : vector<16xf32> to vector<16xf32>
      tpu.vector_store %arg11[%parallel_loop3A_209], %parallel_loop3A_212 {strides = array<i32>} : memref<16000xf32, #tpu.memory_space<vmem>>, vector<16xf32>,
    } {sc.loop_unroll_factor = 8 : i64, sc.parallel_access}
    %add3A_102 = arith.constant 3168000 : i32
    %add3A_103 = arith.addi %mul3A_2, %add3A_102 : i32
    %dma_start3A_104 = tpu.memref_slice %arg4[%add3A_103] : memref<102400000xf32, #tpu.memory_space<hbm>> -> memref<16000xf32, #tpu.memory_space<hbm>>
    %dma_start3A_105 = tpu.memref_slice %arg4[%add3A_103] : memref<102400000xf32, #tpu.memory_space<hbm>> -> memref<16000xf32, #tpu.memory_space<hbm>>
    tpu.enqueue_dma source(%arg11 : memref<16000xf32, #tpu.memory_space<vmem>>) target(%dma_start3A_105 : memref<16000xf32, #tpu.memory_space<hbm>>) target_semaphore(%arg22 : memref<!tpu.dma_semaphore, #tpu.memory_space<semaphore_mem>>)
    %dma_wait3A_106 = tpu.memref_slice %arg2[%mul3A_2] : memref<102400000xf32, #tpu.memory_space<hbm>> -> memref<16000xf32, #tpu.memory_space<hbm>>
    %dma_wait3A_107 = tpu.memref_slice %arg2[%mul3A_2] : memref<102400000xf32, #tpu.memory_space<hbm>> -> memref<16000xf32, #tpu.memory_space<hbm>>
    tpu.wait_dma2 semaphore(%arg19 : memref<!tpu.dma_semaphore, #tpu.memory_space<semaphore_mem>>) src(%dma_wait3A_107 : memref<16000xf32, #tpu.memory_space<hbm>>) dst(%arg8 : memref<16000xf32, #tpu.memory_space<vmem>>)
    %dma_wait3A_108 = tpu.memref_slice %arg4[%mul3A_2] : memref<102400000xf32, #tpu.memory_space<hbm>> -> memref<16000xf32, #tpu.memory_space<hbm>>
    %dma_wait3A_109 = tpu.memref_slice %arg4[%mul3A_2] : memref<102400000xf32, #tpu.memory_space<hbm>> -> memref<16000xf32, #tpu.memory_space<hbm>>
    tpu.wait_dma2 semaphore(%arg23 : memref<!tpu.dma_semaphore, #tpu.memory_space<semaphore_mem>>) src(%arg12 : memref<16000xf32, #tpu.memory_space<vmem>>) dst(%dma_wait3A_109 : memref<16000xf32, #tpu.memory_space<hbm>>)
    %parallel_loop3A_110 = arith.constant 0 : i32
    %parallel_loop3A_111 = arith.constant 16000 : i32
    %parallel_loop3A_112 = arith.constant 16 : i32
    scf.for %parallel_loop3A_202 = %parallel_loop3A_110 to %parallel_loop3A_111 step %parallel_loop3A_112  : i32 {
      %parallel_loop3A_203 = arith.index_cast %parallel_loop3A_202 : i32 to index
      %parallel_loop3A_204 = tpu.vector_load %arg8[%parallel_loop3A_203] {strides = array<i32>} : memref<16000xf32, #tpu.memory_space<vmem>>, vector<16xf32>,
      %parallel_loop3A_205 = vector.shape_cast %parallel_loop3A_204 : vector<16xf32> to vector<16xf32>
      %parallel_loop3A_206 = arith.constant 6.400000e+01 : f32
      %parallel_loop3A_207 = vector.broadcast %parallel_loop3A_206 : f32 to vector<16xf32>
      %parallel_loop3A_208 = arith.mulf %parallel_loop3A_205, %parallel_loop3A_207 : vector<16xf32>
      %parallel_loop3A_209 = arith.index_cast %parallel_loop3A_202 : i32 to index
      %parallel_loop3A_210 = tpu.vector_load %arg12[%parallel_loop3A_209] {strides = array<i32>} : memref<16000xf32, #tpu.memory_space<vmem>>, vector<16xf32>,
      %parallel_loop3A_211 = vector.shape_cast %parallel_loop3A_210 : vector<16xf32> to vector<16xf32>
      %parallel_loop3A_212 = vector.shape_cast %parallel_loop3A_208 : vector<16xf32> to vector<16xf32>
      tpu.vector_store %arg12[%parallel_loop3A_209], %parallel_loop3A_212 {strides = array<i32>} : memref<16000xf32, #tpu.memory_space<vmem>>, vector<16xf32>,
    } {sc.loop_unroll_factor = 8 : i64, sc.parallel_access}
    %add3A_113 = arith.constant 3184000 : i32
    %add3A_114 = arith.addi %mul3A_2, %add3A_113 : i32
    %dma_start3A_115 = tpu.memref_slice %arg4[%add3A_114] : memref<102400000xf32, #tpu.memory_space<hbm>> -> memref<16000xf32, #tpu.memory_space<hbm>>
    %dma_start3A_116 = tpu.memref_slice %arg4[%add3A_114] : memref<102400000xf32, #tpu.memory_space<hbm>> -> memref<16000xf32, #tpu.memory_space<hbm>>
    tpu.enqueue_dma source(%arg12 : memref<16000xf32, #tpu.memory_space<vmem>>) target(%dma_start3A_116 : memref<16000xf32, #tpu.memory_space<hbm>>) target_semaphore(%arg23 : memref<!tpu.dma_semaphore, #tpu.memory_space<semaphore_mem>>)
    %dma_wait3A_117 = tpu.memref_slice %arg4[%mul3A_2] : memref<102400000xf32, #tpu.memory_space<hbm>> -> memref<16000xf32, #tpu.memory_space<hbm>>
    %dma_wait3A_118 = tpu.memref_slice %arg4[%mul3A_2] : memref<102400000xf32, #tpu.memory_space<hbm>> -> memref<16000xf32, #tpu.memory_space<hbm>>
    tpu.wait_dma2 semaphore(%arg20 : memref<!tpu.dma_semaphore, #tpu.memory_space<semaphore_mem>>) src(%arg9 : memref<16000xf32, #tpu.memory_space<vmem>>) dst(%dma_wait3A_118 : memref<16000xf32, #tpu.memory_space<hbm>>)
    %dma_wait3A_119 = tpu.memref_slice %arg4[%mul3A_2] : memref<102400000xf32, #tpu.memory_space<hbm>> -> memref<16000xf32, #tpu.memory_space<hbm>>
    %dma_wait3A_120 = tpu.memref_slice %arg4[%mul3A_2] : memref<102400000xf32, #tpu.memory_space<hbm>> -> memref<16000xf32, #tpu.memory_space<hbm>>
    tpu.wait_dma2 semaphore(%arg21 : memref<!tpu.dma_semaphore, #tpu.memory_space<semaphore_mem>>) src(%arg10 : memref<16000xf32, #tpu.memory_space<vmem>>) dst(%dma_wait3A_120 : memref<16000xf32, #tpu.memory_space<hbm>>)
    %dma_wait3A_121 = tpu.memref_slice %arg4[%mul3A_2] : memref<102400000xf32, #tpu.memory_space<hbm>> -> memref<16000xf32, #tpu.memory_space<hbm>>
    %dma_wait3A_122 = tpu.memref_slice %arg4[%mul3A_2] : memref<102400000xf32, #tpu.memory_space<hbm>> -> memref<16000xf32, #tpu.memory_space<hbm>>
    tpu.wait_dma2 semaphore(%arg22 : memref<!tpu.dma_semaphore, #tpu.memory_space<semaphore_mem>>) src(%arg11 : memref<16000xf32, #tpu.memory_space<vmem>>) dst(%dma_wait3A_122 : memref<16000xf32, #tpu.memory_space<hbm>>)
    %dma_wait3A_123 = tpu.memref_slice %arg4[%mul3A_2] : memref<102400000xf32, #tpu.memory_space<hbm>> -> memref<16000xf32, #tpu.memory_space<hbm>>
    %dma_wait3A_124 = tpu.memref_slice %arg4[%mul3A_2] : memref<102400000xf32, #tpu.memory_space<hbm>> -> memref<16000xf32, #tpu.memory_space<hbm>>
    tpu.wait_dma2 semaphore(%arg23 : memref<!tpu.dma_semaphore, #tpu.memory_space<semaphore_mem>>) src(%arg12 : memref<16000xf32, #tpu.memory_space<vmem>>) dst(%dma_wait3A_124 : memref<16000xf32, #tpu.memory_space<hbm>>)
    %mul3A_125 = arith.constant 32 : i32
    %mul3A_126 = arith.muli %add3A, %mul3A_125 : i32
    "tpu.region"() ({
      %run_scoped3A = tpu.sem_alloc : memref<!tpu.dma_semaphore, #tpu.memory_space<semaphore_mem>>
      %dma_start3A_202 = tpu.memref_slice %arg3[%mul3A_126] : memref<1024xi32, #tpu.memory_space<hbm>> -> memref<32xi32, #tpu.memory_space<hbm>>
      %dma_start3A_203 = tpu.memref_slice %arg3[%mul3A_126] : memref<1024xi32, #tpu.memory_space<hbm>> -> memref<32xi32, #tpu.memory_space<hbm>>
      tpu.enqueue_dma source(%dma_start3A_203 : memref<32xi32, #tpu.memory_space<hbm>>) target(%arg13 : memref<32xi32, #tpu.memory_space<vmem>>) target_semaphore(%run_scoped3A : memref<!tpu.dma_semaphore, #tpu.memory_space<semaphore_mem>>)
      %dma_wait3A_204 = tpu.memref_slice %arg3[%mul3A_126] : memref<1024xi32, #tpu.memory_space<hbm>> -> memref<32xi32, #tpu.memory_space<hbm>>
      %dma_wait3A_205 = tpu.memref_slice %arg3[%mul3A_126] : memref<1024xi32, #tpu.memory_space<hbm>> -> memref<32xi32, #tpu.memory_space<hbm>>
      tpu.wait_dma2 semaphore(%run_scoped3A : memref<!tpu.dma_semaphore, #tpu.memory_space<semaphore_mem>>) src(%dma_wait3A_205 : memref<32xi32, #tpu.memory_space<hbm>>) dst(%arg13 : memref<32xi32, #tpu.memory_space<vmem>>)
      tpu.yield
    }) : () -> ()
    %get3A = arith.constant 0 : index
    %get3A_127 = tpu.vector_load %arg13[%get3A] {strides = array<i32>} : memref<32xi32, #tpu.memory_space<vmem>>, vector<16xi32>,
    %get3A_128 = vector.shape_cast %get3A_127 : vector<16xi32> to vector<16xi32>
    %add3A_129 = arith.constant 0 : i32
    %add3A_130 = arith.addi %mul3A_126, %add3A_129 : i32
    %iota3A = tpu.iota {dimensions = array<i32: 0>} : vector<16xi32>
    %add3A_131 = vector.broadcast %add3A_130 : i32 to vector<16xi32>
    %add3A_132 = arith.addi %add3A_131, %iota3A : vector<16xi32>
    %mul3A_133 = arith.constant 100000 : i32
    %mul3A_134 = vector.broadcast %mul3A_133 : i32 to vector<16xi32>
    %mul3A_135 = arith.muli %add3A_132, %mul3A_134 : vector<16xi32>
    %max3A = arith.constant 0 : i32
    %max3A_136 = vector.broadcast %max3A : i32 to vector<16xi32>
    %max3A_137 = arith.maxsi %get3A_128, %max3A_136 : vector<16xi32>
    %add3A_138 = arith.addi %mul3A_135, %max3A_137 : vector<16xi32>
    %swap3A = arith.constant 0 : index
    %swap3A_139 = tpu.vector_load %arg14[%swap3A] {strides = array<i32>} : memref<32xi32, #tpu.memory_space<vmem>>, vector<16xi32>,
    %swap3A_140 = vector.shape_cast %swap3A_139 : vector<16xi32> to vector<16xi32>
    %swap3A_141 = vector.shape_cast %add3A_138 : vector<16xi32> to vector<16xi32>
    tpu.vector_store %arg14[%swap3A], %swap3A_141 {strides = array<i32>} : memref<32xi32, #tpu.memory_space<vmem>>, vector<16xi32>,
    %get3A_142 = arith.constant 16 : index
    %get3A_143 = tpu.vector_load %arg13[%get3A_142] {strides = array<i32>} : memref<32xi32, #tpu.memory_space<vmem>>, vector<16xi32>,
    %get3A_144 = vector.shape_cast %get3A_143 : vector<16xi32> to vector<16xi32>
    %add3A_145 = arith.constant 16 : i32
    %add3A_146 = arith.addi %mul3A_126, %add3A_145 : i32
    %iota3A_147 = tpu.iota {dimensions = array<i32: 0>} : vector<16xi32>
    %add3A_148 = vector.broadcast %add3A_146 : i32 to vector<16xi32>
    %add3A_149 = arith.addi %add3A_148, %iota3A_147 : vector<16xi32>
    %mul3A_150 = arith.constant 100000 : i32
    %mul3A_151 = vector.broadcast %mul3A_150 : i32 to vector<16xi32>
    %mul3A_152 = arith.muli %add3A_149, %mul3A_151 : vector<16xi32>
    %max3A_153 = arith.constant 0 : i32
    %max3A_154 = vector.broadcast %max3A_153 : i32 to vector<16xi32>
    %max3A_155 = arith.maxsi %get3A_144, %max3A_154 : vector<16xi32>
    %add3A_156 = arith.addi %mul3A_152, %max3A_155 : vector<16xi32>
    %swap3A_157 = arith.constant 16 : index
    %swap3A_158 = tpu.vector_load %arg14[%swap3A_157] {strides = array<i32>} : memref<32xi32, #tpu.memory_space<vmem>>, vector<16xi32>,
    %swap3A_159 = vector.shape_cast %swap3A_158 : vector<16xi32> to vector<16xi32>
    %swap3A_160 = vector.shape_cast %add3A_156 : vector<16xi32> to vector<16xi32>
    tpu.vector_store %arg14[%swap3A_157], %swap3A_160 {strides = array<i32>} : memref<32xi32, #tpu.memory_space<vmem>>, vector<16xi32>,
    %dma_start3A_161 = arith.constant 0 : i32
    %dma_start3A_162 = tpu.memref_slice %arg4[%dma_start3A_161] : memref<102400000xf32, #tpu.memory_space<hbm>> -> memref<102400000xf32, #tpu.memory_space<hbm>>
    tpu.enqueue_indirect_dma source(%dma_start3A_162 : memref<102400000xf32, #tpu.memory_space<hbm>>) target(%arg15 : memref<32xf32, #tpu.memory_space<vmem>>) offsets(%arg14 : memref<32xi32, #tpu.memory_space<vmem>>) semaphore(%arg24 : memref<!tpu.dma_semaphore, #tpu.memory_space<semaphore_mem>>)
    %dma_wait3A_163 = arith.constant 0 : i32
    %dma_wait3A_164 = tpu.memref_slice %arg4[%dma_wait3A_163] : memref<102400000xf32, #tpu.memory_space<hbm>> -> memref<102400000xf32, #tpu.memory_space<hbm>>
    tpu.wait_indirect_dma semaphore(%arg24 : memref<!tpu.dma_semaphore, #tpu.memory_space<semaphore_mem>>) src(%dma_wait3A_164 : memref<102400000xf32, #tpu.memory_space<hbm>>) dst(%arg15 : memref<32xf32, #tpu.memory_space<vmem>>)
    %get3A_165 = arith.constant 0 : index
    %get3A_166 = tpu.vector_load %arg13[%get3A_165] {strides = array<i32>} : memref<32xi32, #tpu.memory_space<vmem>>, vector<16xi32>,
    %get3A_167 = vector.shape_cast %get3A_166 : vector<16xi32> to vector<16xi32>
    %get3A_168 = arith.constant 0 : index
    %get3A_169 = tpu.vector_load %arg15[%get3A_168] {strides = array<i32>} : memref<32xf32, #tpu.memory_space<vmem>>, vector<16xf32>,
    %get3A_170 = vector.shape_cast %get3A_169 : vector<16xf32> to vector<16xf32>
    %ge3A = arith.constant 0 : i32
    %ge3A_171 = vector.broadcast %ge3A : i32 to vector<16xi32>
    %ge3A_172 = arith.cmpi sge, %get3A_167, %ge3A_171 : vector<16xi32>
    %jit3A = arith.constant 2.560000e+01 : f32
    %jit3A_173 = arith.constant 0.000000e+00 : f32
    %broadcast_in_dim3A = vector.broadcast %jit3A : f32 to vector<16xf32>
    %broadcast_in_dim3A_174 = vector.broadcast %jit3A_173 : f32 to vector<16xf32>
    %select_n3A = arith.select %ge3A_172, %broadcast_in_dim3A, %broadcast_in_dim3A_174 : vector<16xi1>, vector<16xf32>
    %sub3A = arith.subf %get3A_170, %select_n3A : vector<16xf32>
    %swap3A_175 = arith.constant 0 : index
    %swap3A_176 = tpu.vector_load %arg15[%swap3A_175] {strides = array<i32>} : memref<32xf32, #tpu.memory_space<vmem>>, vector<16xf32>,
    %swap3A_177 = vector.shape_cast %swap3A_176 : vector<16xf32> to vector<16xf32>
    %swap3A_178 = vector.shape_cast %sub3A : vector<16xf32> to vector<16xf32>
    tpu.vector_store %arg15[%swap3A_175], %swap3A_178 {strides = array<i32>} : memref<32xf32, #tpu.memory_space<vmem>>, vector<16xf32>,
    %get3A_179 = arith.constant 16 : index
    %get3A_180 = tpu.vector_load %arg13[%get3A_179] {strides = array<i32>} : memref<32xi32, #tpu.memory_space<vmem>>, vector<16xi32>,
    %get3A_181 = vector.shape_cast %get3A_180 : vector<16xi32> to vector<16xi32>
    %get3A_182 = arith.constant 16 : index
    %get3A_183 = tpu.vector_load %arg15[%get3A_182] {strides = array<i32>} : memref<32xf32, #tpu.memory_space<vmem>>, vector<16xf32>,
    %get3A_184 = vector.shape_cast %get3A_183 : vector<16xf32> to vector<16xf32>
    %ge3A_185 = arith.constant 0 : i32
    %ge3A_186 = vector.broadcast %ge3A_185 : i32 to vector<16xi32>
    %ge3A_187 = arith.cmpi sge, %get3A_181, %ge3A_186 : vector<16xi32>
    %jit3A_188 = arith.constant 2.560000e+01 : f32
    %jit3A_189 = arith.constant 0.000000e+00 : f32
    %broadcast_in_dim3A_190 = vector.broadcast %jit3A_188 : f32 to vector<16xf32>
    %broadcast_in_dim3A_191 = vector.broadcast %jit3A_189 : f32 to vector<16xf32>
    %select_n3A_192 = arith.select %ge3A_187, %broadcast_in_dim3A_190, %broadcast_in_dim3A_191 : vector<16xi1>, vector<16xf32>
    %sub3A_193 = arith.subf %get3A_184, %select_n3A_192 : vector<16xf32>
    %swap3A_194 = arith.constant 16 : index
    %swap3A_195 = tpu.vector_load %arg15[%swap3A_194] {strides = array<i32>} : memref<32xf32, #tpu.memory_space<vmem>>, vector<16xf32>,
    %swap3A_196 = vector.shape_cast %swap3A_195 : vector<16xf32> to vector<16xf32>
    %swap3A_197 = vector.shape_cast %sub3A_193 : vector<16xf32> to vector<16xf32>
    tpu.vector_store %arg15[%swap3A_194], %swap3A_197 {strides = array<i32>} : memref<32xf32, #tpu.memory_space<vmem>>, vector<16xf32>,
    %dma_start3A_198 = arith.constant 0 : i32
    %dma_start3A_199 = tpu.memref_slice %arg4[%dma_start3A_198] : memref<102400000xf32, #tpu.memory_space<hbm>> -> memref<102400000xf32, #tpu.memory_space<hbm>>
    tpu.enqueue_indirect_dma source(%arg15 : memref<32xf32, #tpu.memory_space<vmem>>) target(%dma_start3A_199 : memref<102400000xf32, #tpu.memory_space<hbm>>) offsets(%arg14 : memref<32xi32, #tpu.memory_space<vmem>>) semaphore(%arg24 : memref<!tpu.dma_semaphore, #tpu.memory_space<semaphore_mem>>)
    %dma_wait3A_200 = arith.constant 0 : i32
    %dma_wait3A_201 = tpu.memref_slice %arg4[%dma_wait3A_200] : memref<102400000xf32, #tpu.memory_space<hbm>> -> memref<102400000xf32, #tpu.memory_space<hbm>>
    tpu.wait_indirect_dma semaphore(%arg24 : memref<!tpu.dma_semaphore, #tpu.memory_space<semaphore_mem>>) src(%arg15 : memref<32xf32, #tpu.memory_space<vmem>>) dst(%dma_wait3A_201 : memref<102400000xf32, #tpu.memory_space<hbm>>)
    return
  }
}

</mosaic_0001>

<sc_bundles>
// kernel: kernel.3.cloned.1.call-start
scs
__scs_entry_jumppad:
0x0: {  	(pc) =	sbr.rel $0x88, $3  }
0x1: {  	(tag) =	ssettag $0x0;
	lr =	simm.s32 $0x1  }
0x2: {  	[smem:$0x3F9F] =	sst lr;
	_ =	strace $0xD0000000  }
0x3: {  	_ = 	snop  }
0x4: {  	_ = 	snop  }
0x5: {  	_ = 	snop  }
0x6: {  	_ = 	snop  }
0x7: {  	_ = 	snop  }
__scs_overlays_trampoline_lowered:
0x8: {  	[smem:$0x3FAE] =	sst s0  }
0x9: {  	[smem:$0x3FAF] =	sst s1  }
0xa: {  	[smem:$0x3FB0] =	sst s2  }
0xb: {  	[smem:$0x3FB1] =	sst s3  }
0xc: {  	[smem:$0x3FB2] =	sst s4  }
0xd: {  	[smem:$0x3FB3] =	sst s5  }
0xe: {  	[smem:$0x3FB4] =	sst s6  }
0xf: {  	[smem:$0x3FB5] =	sst s7  }
0x10: {  	[smem:$0x3FB6] =	sst s8  }
0x11: {  	[smem:$0x3FB7] =	sst s9;
	s0 =	simm.s32 @!p0 $0x0  }
0x12: {  	s1 =	sld [smem:$0x3F9D];
	s0 =	simm.s32 @p0 $0x1  }
0x13: {  	[smem:$0x3FB8] =	sst s0;
	s0 =	simm.s32 @!p1 $0x0  }
0x14: {  	s2 =	sld [smem:$0x3F9C];
	s0 =	simm.s32 @p1 $0x1  }
0x15: {  	[smem:$0x3FB9] =	sst s0;
	s0 =	simm.s32 @!p2 $0x0  }
0x16: {  	s3 =	sld [smem:$0x3FDB];
	s0 =	simm.s32 @p2 $0x1  }
0x17: {  	s4 =	simm.s32 $0x1BF5;
	[smem:$0x3FBB] =	sst s0  }
0x18: {  	s0 =	sld [smem:$0x3F9E];
	_ =	swait.ge [sflag:s4], $0x0  }
0x19: {  	s7 =	sld [smem:$0x3F9F]  }
0x1a: {  	s8 =	sadd.s32 $0xFFFFE003, lr  }
0x1b: {  	s9 =	sadd.s32 $0xFFFFFEF7, lr;
	s5 =	simm.s32 $0xFFFFFFFF;
	p2 =	slt.u32 s8, $0xFFFFF086  }
0x1c: {  	p1 =	slt.u32 s9, $0xF7A;
	s5 =	simm.s32 @!p2 $0x0  }
0x1d: {  	s5 =	simm.s32 @p1 $0x1;
	p0 =	seq.s32 s7, s2  }
0x1e: {  	s7 =	smul.u32 @!p0 $0xF7A, s2;
	p2 =	seq.s32 @!p0 s5, $0x0  }
0x1f: {  	s9 =	smul.u32 $0xF7A, s1;
	s8 =	simm.s32 @!p0 $0x1BF5;
	p2 =	por !p2, p0  }
0x20: {  	[sflag:s8] =	ssyncset.s32 @!p0 $0xFFFFF086;
	s6 =	sadd.s32 @!p0 s3, s7;
	s7 =	simm.s32 @!p0 $0x108  }
0x21: {  	s3 =	sadd.s32 s3, s9;
	s6 =	sadd.s32 @!p0 $0x88, s6;
	s7 =	simm.s32 @p2 $0x1082  }
0x22: {  	[simem:s7], [sflag:s8] =	dma.local @!p0 [hbm:s6], $0xF7A  }
0x23: {  	s9 =	sor.u32 $0xD0000000, s2;
	s6 =	simm.s32 $0x108;
	_ =	swait.ge @!p0 [sflag:s8], $0x0  }
0x24: {  	s3 =	sadd.s32 $0x88, s3;
	s6 =	simm.s32 @!p1 $0x1082;
	[sflag:s4] =	ssyncset.s32 $0xFFFFF086  }
0x25: {  	[simem:s6], [sflag:s4] =	dma.local [hbm:s3], $0xF7A  }
0x26: {  	[smem:$0x3F9F] =	sst s1;
	(tag) =	ssettag s2;
	_ =	strace s9  }
0x27: {  	s1 =	sld [smem:$0x3FAF]  }
0x28: {  	s2 =	sld [smem:$0x3FB0]  }
0x29: {  	s4 =	sld [smem:$0x3FB2]  }
0x2a: {  	p0 =	seq.s32 s5, $0x0;
	s5 =	sld [smem:$0x3FB3]  }
0x2b: {  	s6 =	sld [smem:$0x3FB4]  }
0x2c: {  	s7 =	sld [smem:$0x3FB5]  }
0x2d: {  	s3 =	simm.s32 $0x108;
	s8 =	sld [smem:$0x3FB6]  }
0x2e: {  	s3 =	simm.s32 @!p0 $0x1082;
	s9 =	sld [smem:$0x3FB7]  }
0x2f: {  	lr =	sadd.s32 s0, s3;
	s0 =	sld [smem:$0x3FAE]  }
0x30: {  	s3 =	sld [smem:$0x3FB1]  }
0x31: {  	[smem:$0x3FBA] =	sst s10  }
0x32: {  	s10 =	sld [smem:$0x3FB8];
	_ =	sdelay $0x3  }
0x33: {  	p0 =	seq.s32 s10, $0x1;
	s10 =	sld [smem:$0x3FBA];
	_ =	sdelay $0x3  }
0x34: {  	[smem:$0x3FBA] =	sst s10  }
0x35: {  	s10 =	sld [smem:$0x3FB9];
	_ =	sdelay $0x3  }
0x36: {  	p1 =	seq.s32 s10, $0x1;
	s10 =	sld [smem:$0x3FBA];
	_ =	sdelay $0x3  }
0x37: {  	[smem:$0x3FBA] =	sst s10  }
0x38: {  	s10 =	sld [smem:$0x3FBB]  }
0x39: {  	_ = 	snop;
	(pc) =	sbr.ind lr, $3  }
0x3a: {  	_ = 	snop  }
0x3b: {  	_ = 	snop  }
0x3c: {  	p2 =	seq.s32 s10, $0x1;
	s10 =	sld [smem:$0x3FBA]  }
0x3d: {  	_ =	shalt  }
0x3e: {  	_ =	shalt  }
0x3f: {  	_ =	shalt  }
0x40: {  	_ =	shalt  }
0x41: {  	_ =	shalt  }
0x42: {  	_ =	shalt  }
0x43: {  	_ =	shalt  }
0x44: {  	_ =	shalt  }
0x45: {  	_ =	shalt  }
0x46: {  	_ =	shalt  }
0x47: {  	_ =	shalt  }
0x48: {  	_ =	shalt  }
0x49: {  	_ =	shalt  }
0x4a: {  	_ =	shalt  }
0x4b: {  	_ =	shalt  }
0x4c: {  	_ =	shalt  }
0x4d: {  	_ =	shalt  }
0x4e: {  	_ =	shalt  }
0x4f: {  	_ =	shalt  }
0x50: {  	_ =	shalt  }
0x51: {  	_ =	shalt  }
0x52: {  	_ =	shalt  }
0x53: {  	_ =	shalt  }
0x54: {  	_ =	shalt  }
0x55: {  	_ =	shalt  }
0x56: {  	_ =	shalt  }
0x57: {  	_ =	shalt  }
0x58: {  	_ =	shalt  }
0x59: {  	_ =	shalt  }
0x5a: {  	_ =	shalt  }
0x5b: {  	_ =	shalt  }
0x5c: {  	_ =	shalt  }
0x5d: {  	_ =	shalt  }
0x5e: {  	_ =	shalt  }
0x5f: {  	_ =	shalt  }
0x60: {  	_ =	shalt  }
0x61: {  	_ =	shalt  }
0x62: {  	_ =	shalt  }
0x63: {  	_ =	shalt  }
0x64: {  	_ =	shalt  }
0x65: {  	_ =	shalt  }
0x66: {  	_ =	shalt  }
0x67: {  	_ =	shalt  }
0x68: {  	_ =	shalt  }
0x69: {  	_ =	shalt  }
0x6a: {  	_ =	shalt  }
0x6b: {  	_ =	shalt  }
0x6c: {  	_ =	shalt  }
0x6d: {  	_ =	shalt  }
0x6e: {  	_ =	shalt  }
0x6f: {  	_ =	shalt  }
0x70: {  	_ =	shalt  }
0x71: {  	_ =	shalt  }
0x72: {  	_ =	shalt  }
0x73: {  	_ =	shalt  }
0x74: {  	_ =	shalt  }
0x75: {  	_ =	shalt  }
0x76: {  	_ =	shalt  }
0x77: {  	_ =	shalt  }
0x78: {  	_ =	shalt  }
0x79: {  	_ =	shalt  }
0x7a: {  	_ =	shalt  }
0x7b: {  	_ =	shalt  }
0x7c: {  	_ =	shalt  }
0x7d: {  	_ =	shalt  }
0x7e: {  	_ =	shalt  }
0x7f: {  	_ =	shalt  }
0x80: {  	_ =	shalt  }
0x81: {  	_ =	shalt  }
0x82: {  	_ =	shalt  }
0x83: {  	_ =	shalt  }
0x84: {  	_ =	shalt  }
0x85: {  	_ =	shalt  }
0x86: {  	_ =	shalt  }
0x87: {  	_ =	shalt  }
.Lfunc_end0:
.L_simem_size_0:
called_computation.1_lowered:
.L_overlay_start_0:
0x88: {  	s2 =	sld [smem:$0x3FD9]  }
0x89: {  	s3 =	sld [smem:$0x3FFE];
	_ =	sdelay $0x1  }
0x8a: {  	s1 =	srdreg.scid  }
0x8b: {  	s0 =	sand.u32 $0x1, s1  }
0x8c: {  	s17 =	sshll.u32 s0, $0xA;
	s2 =	sadd.s32 s3, s2  }
0x8d: {  	s2 =	sadd.s32 s2, s17  }
0x8e: {  	[smem:$0x3FC6] =	sst s2  }
0x8f: {  	_ = 	snop  }
0x90: {  	s2 =	sld [smem:$0x3FC8]  }
0x91: {  	s18 =	sld [smem:$0x3FD0];
	(tm) =	ssettm $0x1  }
0x92: {  	s4 =	sld [smem:$0x3FFB];
	_ =	sdelay $0x3  }
0x93: {  	_ =	strace s4  }
0x94: {  	s4 =	sld [smem:$0x3FFC];
	_ =	sdelay $0x3  }
0x95: {  	_ =	strace s4  }
0x96: {  	s4 =	sld [smem:$0x3FFD];
	_ =	sdelay $0x3  }
0x97: {  	_ =	strace s4  }
0x98: {  	_ =	strace $0x8FFFFFFF  }
0x99: {  	s19 =	sld [smem:$0x3FDB];
	_ =	sdelay $0x1  }
0x9a: {  	s5 =	simm.s32 $_scs_section_size  }
0x9b: {  	s6 =	simm.s32 $_size__tile_overlayer_lowered;
	s7 =	simm.s32 $_tile_overlayer_lowered  }
0x9c: {  	s22 =	simm.s32 $0x1BFF;
	s21 =	sshll.u32 s7, $0x1;
	s4 =	sadd.s32 s5, s19  }
0x9d: {  	s8 =	simm.s32 $0x0;
	s20 =	sshll.u32 s6, $0x1;
	s6 =	sadd.s32 s21, s4  }
0x9e: {  	[timem:s8], [sflag:s22] =	dma.local [hbm:s6], s20  }
0x9f: {  	_ =	swait.ge [sflag:s22], s20  }
0xa0: {  	s5 =	ssub.s32 $0x0, s20;
	[sflag:s22] =	ssyncset.done $0x0  }
0xa1: {  	[sflag:s22] =	ssyncadd.s32 s5;
	_ =	sdelay $0x1  }
0xa2: {  	s23 =	simm.s32 $0x1B8B  }
0xa3: {  	_ =	swait.ge [sflag:s23], $0x1  }
0xa4: {  	[sflag:s23] =	ssyncset.done $0x0  }
0xa5: {  	s25 =	simm.s32 $0x1B8E;
	s24 =	sld [smem:$0x3FFE];
	[sflag:s23] =	ssyncadd.s32 $0xFFFFFFFF  }
0xa6: {  	s26 =	simm.s32 $execute0_lowered;
	[smem:$0x3FD2] =	sst s25  }
0xa7: {  	s6 =	sshll.u32 s26, $0x1;
	_ =	strace $0x80000046;
	[dreg:$0x1] =	wrdreg $0xFFFFFFFF  }
0xa8: {  	s28 =	simm.s32 $_size_execute0_lowered;
	s4 =	sadd.s32 s4, s6;
	[dreg:$0x0] =	wrdreg $0x0  }
0xa9: {  	s6 =	sshll.u32 s28, $0x1;
	[dreg:$0x2] =	wrdreg s4  }
0xaa: {  	[dreg:$0x3] =	wrdreg s6  }
0xab: {  	[dreg:$0x4] =	wrdreg $0xC0  }
0xac: {  	_ =	task [dreg:s8], $0x5FFFF  }
0xad: {  	[dreg:$0x1] =	wrdreg $0xFFFFFFFF  }
0xae: {  	[dreg:$0x0] =	wrdreg $0x60  }
0xaf: {  	[dreg:$0x2] =	wrdreg s18  }
0xb0: {  	[dreg:$0x3] =	wrdreg s2  }
0xb1: {  	[dreg:$0x4] =	wrdreg s24  }
0xb2: {  	[dreg:$0x5] =	wrdreg $0x9  }
0xb3: {  	_ =	task.clear_ibuf [dreg:s8], $0x6FFFF;
	_ =	strace $0x90000046  }
0xb4: {  	s29 =	simm.s32 $0x9;
	_ =	strace $0x80000048  }
0xb5: {  	_ =	swait.ge [sflag:s29], $0x1  }
0xb6: {  	[sflag:s29] =	ssyncadd.s32 $0xFFFFFFFF  }
0xb7: {  	_ =	strace $0x90000048  }
0xb8: {  	_ =	sfence  }
0xb9: {  	s30 =	sld [smem:$0x0];
	_ =	sdelay $0x2  }
0xba: {  	s31 =	sshll.u32 s1, $0xD;
	s1 =	sshrl.u32 s1, $0x2  }
0xbb: {  	s3 =	sand.u32 $0x4000, s31;
	s1 =	sadd.s32 s1, s30  }
0xbc: {  	s0 =	sor.u32 s3, s0;
	s1 =	sshll.u32 s1, $0x11  }
0xbd: {  	s0 =	sor.u32 s1, s0  }
0xbe: {  	s0 =	sadd.s32 $0x8F2B, s0  }
0xbf: {  	[sflag:s0] =	ssyncadd.remote.s32 $0x1  }
0xc0: {  	_ =	sfence.sel $0xFFFF  }
0xc1: {  	[dreg:$0x0] =	wrdreg $0xFFFFFFFF;
	(pc) =	sbr.abs _section_cstart, $3  }
0xc2: {  	[dreg:$0x1] =	wrdreg $0xFFFFFFFF  }
0xc3: {  	_ =	task.clear_ibuf [dreg:s8], $0x2FFFF;
	_ =	strace $0x9FFFFFFF  }
0xc4: {  	(tm) =	ssettm $0x7FFFFFFF  }
0xc5: {  	_ =	shalt  }
tec
execute0_lowered:
.L_overlay_start_1:
0x0: {  	(tag) =	ssettag $0x1  }
0x1: {  	s1 =	rddreg [dreg:$0x0]  }
0x2: {  	s0 =	rddreg [dreg:$0x1];
	s2 =	srdreg.scid  }
0x3: {  	s3 =	stileid.u32;
	s5 =	rddreg [dreg:$0x2]  }
0x4: {  	s28 =	simm.s32 $0x0;
	s2 =	sand.u32 $0x1, s2;
	s4 =	sshll.u32 s3, $0x1  }
0x5: {  	s3 =	simm.s32 $0x0;
	s5 =	sadd.s32 $0x800, s5;
	s8 =	sor.u32 s2, s4  }
0x6: {  	[smem:$0x7FF] =	sst s3;
	s2 =	ssub.s32 $0x2, s2;
	s4 =	smul.u32 $0x30D400, s8  }
0x7: {  	_ =	strace $0x80000047;
	s6 =	sshrl.u32 s2, $0x1;
	s23 =	sshll.u32 s8, $0x5  }
0x8: {  	s2 =	ssub.s32 s2, s6;
	s6 =	sadd.s32 $0x3E80, s4;
	s9 =	sshrl.u32 s4, $0x3  }
0x9: {  	s7 =	sadd.s32 $0x7D00, s4;
	s12 =	sadd.s32 $0xFA00, s4;
	s13 =	sadd.s32 $0x13880, s4  }
0xa: {  	s18 =	sadd.s32 $0x17700, s4;
	s22 =	sadd.s32 $0x1B580, s4;
	s24 =	smax.u32 s2, $0x1  }
0xb: {  	s2 =	simm.s32 $0x3E80;
	s10 =	sshrl.u32 s6, $0x3;
	s11 =	sadd.s32 s1, s9  }
0xc: {  	s14 =	sshrl.u32 s7, $0x3;
	s16 =	sshrl.u32 s12, $0x3;
	[dreg:$0x11] =	wrdreg s24  }
0xd: {  	s17 =	sadd.s32 s5, s9;
	s31 =	sshrl.u32 s13, $0x3;
	[dreg:$0x4] =	wrdreg s11  }
0xe: {  	s21 =	sshrl.u32 s22, $0x3;
	s26 =	sadd.s32 s1, s10;
	[dreg:$0x7] =	wrdreg s17  }
0xf: {  	s24 =	simm.s32 $0x6;
	s29 =	sadd.s32 s1, s14;
	[dreg:$0x5] =	wrdreg s26  }
0x10: {  	s11 =	sadd.s32 $0xBB80, s4;
	s30 =	sadd.s32 s1, s16;
	[dreg:$0x6] =	wrdreg s29  }
0x11: {  	s10 =	sadd.s32 s5, s10;
	s9 =	sadd.s32 s1, s31;
	[dreg:$0x8] =	wrdreg s30  }
0x12: {  	s16 =	sshll.u32 s8, $0x2;
	s25 =	sadd.s32 $0x5FB40, s17;
	[dreg:$0x9] =	wrdreg s10  }
0x13: {  	s31 =	sor.u32 $0x10, s23;
	s8 =	simm.s32 $0xBB80;
	[dreg:$0xa] =	wrdreg s9  }
0x14: {  	v0 =	vmov s23;
	s23 =	simm.s32 $0x5;
	s10 =	sadd.s32 s5, s14;
	[dreg:$0x12] =	wrdreg s25  }
0x15: {  	s15 =	sshrl.u32 s11, $0x3;
	s0 =	sadd.s32 s0, s16;
	[dreg:$0xb] =	wrdreg s10  }
0x16: {  	s14 =	sshrl.u32 s18, $0x3;
	s26 =	sadd.s32 $0x60310, s17;
	[dreg:$0xd] =	wrdreg s0  }
0x17: {  	s29 =	sadd.s32 $0x60AE0, s17;
	s30 =	sadd.s32 $0x612B0, s17;
	[dreg:$0x13] =	wrdreg s26  }
0x18: {  	s16 =	simm.s32 $0x13880;
	s17 =	simm.s32 $0x3;
	[dreg:$0x14] =	wrdreg s29  }
0x19: {  	v1 =	vmov s31;
	s25 =	simm.s32 $0x7;
	s9 =	sadd.s32 s1, s14;
	[dreg:$0x15] =	wrdreg s30  }
0x1a: {  	v0 =	vmul.u32 $0x186A0, v0;
	s19 =	sadd.s32 s1, s15;
	s20 =	sadd.s32 s5, s15;
	v1 =	vmul.u32 $0x186A0, v1;
	[dreg:$0xc] =	wrdreg s9  }
0x1b: {  	v2 =	vlaneseq.u32;
	s0 =	sadd.s32 s1, s21;
	s10 =	simm.s32 $0xFA00;
	[dreg:$0xe] =	wrdreg s19  }
0x1c: {  	v2 =	vmul.u32 $0x186A0, v2;
	v0 =	vbroadcast v0, $0x0;
	s15 =	simm.s32 $0x2;
	s21 =	simm.s32 $0x1B580;
	[dreg:$0xf] =	wrdreg s20;
	v1 =	vbroadcast v1, $0x0  }
0x1d: {  	s26 =	simm.s32 $0x8;
	[dreg:$0x10] =	wrdreg s0;
	s0 =	simm.s32 $0x7D00  }
0x1e: {  	v0 =	vadd.s32 v2, v0;
	s9 =	simm.s32 $0x1;
	s19 =	simm.s32 $0x17700;
	s20 =	simm.s32 $0x4;
	v1 =	vadd.s32 v2, v1;
	v2 =	vimm.f32 $0.0e+00  }
.LBB2_1:
0x1f: {  	[dreg:$0x16] =	wrdreg s28  }
0x20: {  	s14 =	rddreg [dreg:$0x4]  }
0x21: {  	[tilespmem:s3], [sflag:$0x1] =	stream.linear.gather [hbm4b:s14+s3], $0x3E80, $0x38;
	[tilespmem:$0x1F580] =	vst v63  }
0x22: {  	s31 =	rddreg [dreg:$0x5]  }
0x23: {  	[tilespmem:s2], [sflag:$0x2] =	stream.linear.gather [hbm4b:s31+s3], $0x3E80, $0x38;
	[tilespmem:$0x1F580] =	vst v63  }
0x24: {  	s30 =	rddreg [dreg:$0x6]  }
0x25: {  	[tilespmem:s0], [sflag:$0x3] =	stream.linear.gather [hbm4b:s30+s3], $0x3E80, $0x38;
	[tilespmem:$0x1F580] =	vst v63  }
0x26: {  	s31 =	rddreg [dreg:$0xe]  }
0x27: {  	[tilespmem:s8], [sflag:$0x4] =	stream.linear.gather [hbm4b:s31+s3], $0x3E80, $0x38;
	[tilespmem:$0x1F580] =	vst v63  }
0x28: {  	_ =	swait.ge [sflag:s9], $0x3E80  }
0x29: {  	[sflag:s9] =	ssyncset.done $0x0  }
0x2a: {  	s29 =	simm.s32 $0x40;
	[sflag:s9] =	ssyncadd.s32 $0xFFFFC180  }
0x2b: {  	v5 =	vld [tilespmem:s29+$0x30]  }
0x2c: {  	v7 =	vld [tilespmem:s29+$0xFFFFFFD0]  }
0x2d: {  	v9 =	vld [tilespmem:s29+$0xFFFFFFE0]  }
0x2e: {  	v6 =	vld [tilespmem:s29+$0xFFFFFFF0]  }
0x2f: {  	v4 =	vld [tilespmem:s29+$0x0]  }
0x30: {  	v3 =	vld [tilespmem:s29+$0x10];
	v10 =	vmul.f32 $6.400000000e+01, v5  }
0x31: {  	s14 =	simm.s32 $0xFA40;
	v5 =	vld [tilespmem:s29+$0x20];
	v8 =	vmul.f32 $6.400000000e+01, v7  }
0x32: {  	s28 =	simm.s32 $0x0;
	v7 =	vld [tilespmem:s29+$0xFFFFFFC0];
	v9 =	vmul.f32 $6.400000000e+01, v9;
	s29 =	simm.s32 $0xC0;
	[tilespmem:s14+$0x30] =	vst v10  }
.LBB2_2:
0x33: {  	v10 =	vld [tilespmem:s29+$0x30];
	s28 =	sadd.s32 $0x80, s28;
	[tilespmem:s14+$0xFFFFFFD0] =	vst v8;
	v6 =	vmul.f32 $6.400000000e+01, v6  }
0x34: {  	v8 =	vld [tilespmem:s29+$0xFFFFFFD0];
	p0 =	slt.u32 s28, $0x3E00;
	[tilespmem:s14+$0xFFFFFFE0] =	vst v9;
	v4 =	vmul.f32 $6.400000000e+01, v4  }
0x35: {  	v9 =	vld [tilespmem:s29+$0xFFFFFFE0];
	[tilespmem:s14+$0xFFFFFFF0] =	vst v6;
	v3 =	vmul.f32 $6.400000000e+01, v3  }
.Ltmp0:
0x36: {  	v6 =	vld [tilespmem:s29+$0xFFFFFFF0];
	[tilespmem:s14+$0x0] =	vst v4;
	v5 =	vmul.f32 $6.400000000e+01, v5;
	(pc) =	sbr.rel @p0 .LBB2_2-.Ltmp0, $4  }
0x37: {  	v4 =	vld [tilespmem:s29+$0x0];
	v7 =	vmul.f32 $6.400000000e+01, v7;
	[tilespmem:s14+$0x10] =	vst v3  }
0x38: {  	v3 =	vld [tilespmem:s29+$0x10];
	v10 =	vmul.f32 $6.400000000e+01, v10;
	[tilespmem:s14+$0x20] =	vst v5  }
0x39: {  	v8 =	vmul.f32 $6.400000000e+01, v8;
	v5 =	vld [tilespmem:s29+$0x20];
	[tilespmem:s14+$0xFFFFFFC0] =	vst v7;
	s14 =	sadd.s32 $0x80, s14  }
0x3a: {  	v7 =	vld [tilespmem:s29+$0xFFFFFFC0];
	v9 =	vmul.f32 $6.400000000e+01, v9;
	[tilespmem:s14+$0x30] =	vst v10;
	s29 =	sadd.s32 $0x80, s29  }
0x3b: {  	[tilespmem:s14+$0xFFFFFFD0] =	vst v8;
	v6 =	vmul.f32 $6.400000000e+01, v6  }
0x3c: {  	[tilespmem:s14+$0xFFFFFFE0] =	vst v9;
	v4 =	vmul.f32 $6.400000000e+01, v4  }
0x3d: {  	[tilespmem:s14+$0xFFFFFFF0] =	vst v6;
	v3 =	vmul.f32 $6.400000000e+01, v3  }
0x3e: {  	[tilespmem:s14+$0x0] =	vst v4;
	v4 =	vmul.f32 $6.400000000e+01, v5  }
0x3f: {  	v5 =	vmul.f32 $6.400000000e+01, v7;
	[tilespmem:s14+$0x10] =	vst v3  }
0x40: {  	[tilespmem:s14+$0x20] =	vst v4  }
0x41: {  	[tilespmem:s14+$0xFFFFFFC0] =	vst v5  }
0x42: {  	s14 =	rddreg [dreg:$0x7]  }
0x43: {  	[hbm4b:s14+s3] =	stream.linear.scatter [tilespmem:s10], [sflag:$0x5], $0x3E80, $0x38;
	[tilespmem:$0x1F580] =	vst v63  }
0x44: {  	s31 =	rddreg [dreg:$0x8]  }
0x45: {  	[tilespmem:s3], [sflag:$0x1] =	stream.linear.gather [hbm4b:s31+s3], $0x3E80, $0x38;
	[tilespmem:$0x1F580] =	vst v63  }
0x46: {  	_ =	swait.ge [sflag:s15], $0x3E80  }
0x47: {  	[sflag:s15] =	ssyncset.done $0x0  }
0x48: {  	s29 =	simm.s32 $0x3EC0;
	[sflag:s15] =	ssyncadd.s32 $0xFFFFC180  }
0x49: {  	v5 =	vld [tilespmem:s29+$0x30]  }
0x4a: {  	v7 =	vld [tilespmem:s29+$0xFFFFFFD0]  }
0x4b: {  	v9 =	vld [tilespmem:s29+$0xFFFFFFE0]  }
0x4c: {  	v6 =	vld [tilespmem:s29+$0xFFFFFFF0]  }
0x4d: {  	v4 =	vld [tilespmem:s29+$0x0]  }
0x4e: {  	v3 =	vld [tilespmem:s29+$0x10];
	v10 =	vmul.f32 $6.400000000e+01, v5  }
0x4f: {  	s14 =	simm.s32 $0x138C0;
	v5 =	vld [tilespmem:s29+$0x20];
	v8 =	vmul.f32 $6.400000000e+01, v7  }
0x50: {  	s28 =	simm.s32 $0x0;
	v7 =	vld [tilespmem:s29+$0xFFFFFFC0];
	v9 =	vmul.f32 $6.400000000e+01, v9;
	s29 =	simm.s32 $0x3F40;
	[tilespmem:s14+$0x30] =	vst v10  }
.LBB2_4:
0x51: {  	v10 =	vld [tilespmem:s29+$0x30];
	s28 =	sadd.s32 $0x80, s28;
	[tilespmem:s14+$0xFFFFFFD0] =	vst v8;
	v6 =	vmul.f32 $6.400000000e+01, v6  }
0x52: {  	v8 =	vld [tilespmem:s29+$0xFFFFFFD0];
	p0 =	slt.u32 s28, $0x3E00;
	[tilespmem:s14+$0xFFFFFFE0] =	vst v9;
	v4 =	vmul.f32 $6.400000000e+01, v4  }
0x53: {  	v9 =	vld [tilespmem:s29+$0xFFFFFFE0];
	[tilespmem:s14+$0xFFFFFFF0] =	vst v6;
	v3 =	vmul.f32 $6.400000000e+01, v3  }
.Ltmp1:
0x54: {  	v6 =	vld [tilespmem:s29+$0xFFFFFFF0];
	[tilespmem:s14+$0x0] =	vst v4;
	v5 =	vmul.f32 $6.400000000e+01, v5;
	(pc) =	sbr.rel @p0 .LBB2_4-.Ltmp1, $4  }
0x55: {  	v4 =	vld [tilespmem:s29+$0x0];
	v7 =	vmul.f32 $6.400000000e+01, v7;
	[tilespmem:s14+$0x10] =	vst v3  }
0x56: {  	v3 =	vld [tilespmem:s29+$0x10];
	v10 =	vmul.f32 $6.400000000e+01, v10;
	[tilespmem:s14+$0x20] =	vst v5  }
0x57: {  	v8 =	vmul.f32 $6.400000000e+01, v8;
	v5 =	vld [tilespmem:s29+$0x20];
	[tilespmem:s14+$0xFFFFFFC0] =	vst v7;
	s14 =	sadd.s32 $0x80, s14  }
0x58: {  	v7 =	vld [tilespmem:s29+$0xFFFFFFC0];
	v9 =	vmul.f32 $6.400000000e+01, v9;
	[tilespmem:s14+$0x30] =	vst v10;
	s29 =	sadd.s32 $0x80, s29  }
0x59: {  	[tilespmem:s14+$0xFFFFFFD0] =	vst v8;
	v6 =	vmul.f32 $6.400000000e+01, v6  }
0x5a: {  	[tilespmem:s14+$0xFFFFFFE0] =	vst v9;
	v4 =	vmul.f32 $6.400000000e+01, v4  }
0x5b: {  	[tilespmem:s14+$0xFFFFFFF0] =	vst v6;
	v3 =	vmul.f32 $6.400000000e+01, v3  }
0x5c: {  	[tilespmem:s14+$0x0] =	vst v4;
	v4 =	vmul.f32 $6.400000000e+01, v5  }
0x5d: {  	v5 =	vmul.f32 $6.400000000e+01, v7;
	[tilespmem:s14+$0x10] =	vst v3  }
0x5e: {  	[tilespmem:s14+$0x20] =	vst v4  }
0x5f: {  	[tilespmem:s14+$0xFFFFFFC0] =	vst v5  }
0x60: {  	s14 =	rddreg [dreg:$0x9]  }
0x61: {  	[hbm4b:s14+s3] =	stream.linear.scatter [tilespmem:s16], [sflag:$0x6], $0x3E80, $0x38;
	[tilespmem:$0x1F580] =	vst v63  }
0x62: {  	s31 =	rddreg [dreg:$0xa]  }
0x63: {  	[tilespmem:s2], [sflag:$0x2] =	stream.linear.gather [hbm4b:s31+s3], $0x3E80, $0x38;
	[tilespmem:$0x1F580] =	vst v63  }
0x64: {  	_ =	swait.ge [sflag:s17], $0x3E80  }
0x65: {  	[sflag:s17] =	ssyncset.done $0x0  }
0x66: {  	s29 =	simm.s32 $0x7D40;
	[sflag:s17] =	ssyncadd.s32 $0xFFFFC180  }
0x67: {  	v5 =	vld [tilespmem:s29+$0x30]  }
0x68: {  	v7 =	vld [tilespmem:s29+$0xFFFFFFD0]  }
0x69: {  	v9 =	vld [tilespmem:s29+$0xFFFFFFE0]  }
0x6a: {  	v6 =	vld [tilespmem:s29+$0xFFFFFFF0]  }
0x6b: {  	v4 =	vld [tilespmem:s29+$0x0]  }
0x6c: {  	v3 =	vld [tilespmem:s29+$0x10];
	v10 =	vmul.f32 $6.400000000e+01, v5  }
0x6d: {  	s14 =	simm.s32 $0x17740;
	v5 =	vld [tilespmem:s29+$0x20];
	v8 =	vmul.f32 $6.400000000e+01, v7  }
0x6e: {  	s28 =	simm.s32 $0x0;
	v7 =	vld [tilespmem:s29+$0xFFFFFFC0];
	v9 =	vmul.f32 $6.400000000e+01, v9;
	s29 =	simm.s32 $0x7DC0;
	[tilespmem:s14+$0x30] =	vst v10  }
.LBB2_6:
0x6f: {  	v10 =	vld [tilespmem:s29+$0x30];
	s28 =	sadd.s32 $0x80, s28;
	[tilespmem:s14+$0xFFFFFFD0] =	vst v8;
	v6 =	vmul.f32 $6.400000000e+01, v6  }
0x70: {  	v8 =	vld [tilespmem:s29+$0xFFFFFFD0];
	p0 =	slt.u32 s28, $0x3E00;
	[tilespmem:s14+$0xFFFFFFE0] =	vst v9;
	v4 =	vmul.f32 $6.400000000e+01, v4  }
0x71: {  	v9 =	vld [tilespmem:s29+$0xFFFFFFE0];
	[tilespmem:s14+$0xFFFFFFF0] =	vst v6;
	v3 =	vmul.f32 $6.400000000e+01, v3  }
.Ltmp2:
0x72: {  	v6 =	vld [tilespmem:s29+$0xFFFFFFF0];
	[tilespmem:s14+$0x0] =	vst v4;
	v5 =	vmul.f32 $6.400000000e+01, v5;
	(pc) =	sbr.rel @p0 .LBB2_6-.Ltmp2, $4  }
0x73: {  	v4 =	vld [tilespmem:s29+$0x0];
	v7 =	vmul.f32 $6.400000000e+01, v7;
	[tilespmem:s14+$0x10] =	vst v3  }
0x74: {  	v3 =	vld [tilespmem:s29+$0x10];
	v10 =	vmul.f32 $6.400000000e+01, v10;
	[tilespmem:s14+$0x20] =	vst v5  }
0x75: {  	v8 =	vmul.f32 $6.400000000e+01, v8;
	v5 =	vld [tilespmem:s29+$0x20];
	[tilespmem:s14+$0xFFFFFFC0] =	vst v7;
	s14 =	sadd.s32 $0x80, s14  }
0x76: {  	v7 =	vld [tilespmem:s29+$0xFFFFFFC0];
	v9 =	vmul.f32 $6.400000000e+01, v9;
	[tilespmem:s14+$0x30] =	vst v10;
	s29 =	sadd.s32 $0x80, s29  }
0x77: {  	[tilespmem:s14+$0xFFFFFFD0] =	vst v8;
	v6 =	vmul.f32 $6.400000000e+01, v6  }
0x78: {  	[tilespmem:s14+$0xFFFFFFE0] =	vst v9;
	v4 =	vmul.f32 $6.400000000e+01, v4  }
0x79: {  	[tilespmem:s14+$0xFFFFFFF0] =	vst v6;
	v3 =	vmul.f32 $6.400000000e+01, v3  }
0x7a: {  	[tilespmem:s14+$0x0] =	vst v4;
	v4 =	vmul.f32 $6.400000000e+01, v5  }
0x7b: {  	v5 =	vmul.f32 $6.400000000e+01, v7;
	[tilespmem:s14+$0x10] =	vst v3  }
0x7c: {  	[tilespmem:s14+$0x20] =	vst v4  }
0x7d: {  	[tilespmem:s14+$0xFFFFFFC0] =	vst v5  }
0x7e: {  	s14 =	rddreg [dreg:$0xb]  }
0x7f: {  	[hbm4b:s14+s3] =	stream.linear.scatter [tilespmem:s19], [sflag:$0x7], $0x3E80, $0x38;
	[tilespmem:$0x1F580] =	vst v63  }
0x80: {  	s31 =	rddreg [dreg:$0xc]  }
0x81: {  	[tilespmem:s0], [sflag:$0x3] =	stream.linear.gather [hbm4b:s31+s3], $0x3E80, $0x38;
	[tilespmem:$0x1F580] =	vst v63  }
0x82: {  	_ =	swait.ge [sflag:s20], $0x3E80  }
0x83: {  	[sflag:s20] =	ssyncset.done $0x0  }
0x84: {  	s29 =	simm.s32 $0xBBC0;
	[sflag:s20] =	ssyncadd.s32 $0xFFFFC180  }
0x85: {  	v5 =	vld [tilespmem:s29+$0x30]  }
0x86: {  	v7 =	vld [tilespmem:s29+$0xFFFFFFD0]  }
0x87: {  	v9 =	vld [tilespmem:s29+$0xFFFFFFE0]  }
0x88: {  	v6 =	vld [tilespmem:s29+$0xFFFFFFF0]  }
0x89: {  	v4 =	vld [tilespmem:s29+$0x0]  }
0x8a: {  	v3 =	vld [tilespmem:s29+$0x10];
	v10 =	vmul.f32 $6.400000000e+01, v5  }
0x8b: {  	s14 =	simm.s32 $0x1B5C0;
	v5 =	vld [tilespmem:s29+$0x20];
	v8 =	vmul.f32 $6.400000000e+01, v7  }
0x8c: {  	s28 =	simm.s32 $0x0;
	v7 =	vld [tilespmem:s29+$0xFFFFFFC0];
	v9 =	vmul.f32 $6.400000000e+01, v9;
	s29 =	simm.s32 $0xBC40;
	[tilespmem:s14+$0x30] =	vst v10  }
.LBB2_8:
0x8d: {  	v10 =	vld [tilespmem:s29+$0x30];
	s28 =	sadd.s32 $0x80, s28;
	[tilespmem:s14+$0xFFFFFFD0] =	vst v8;
	v6 =	vmul.f32 $6.400000000e+01, v6  }
0x8e: {  	v8 =	vld [tilespmem:s29+$0xFFFFFFD0];
	p0 =	slt.u32 s28, $0x3E00;
	[tilespmem:s14+$0xFFFFFFE0] =	vst v9;
	v4 =	vmul.f32 $6.400000000e+01, v4  }
0x8f: {  	v9 =	vld [tilespmem:s29+$0xFFFFFFE0];
	[tilespmem:s14+$0xFFFFFFF0] =	vst v6;
	v3 =	vmul.f32 $6.400000000e+01, v3  }
.Ltmp3:
0x90: {  	v6 =	vld [tilespmem:s29+$0xFFFFFFF0];
	[tilespmem:s14+$0x0] =	vst v4;
	v5 =	vmul.f32 $6.400000000e+01, v5;
	(pc) =	sbr.rel @p0 .LBB2_8-.Ltmp3, $4  }
0x91: {  	v4 =	vld [tilespmem:s29+$0x0];
	v7 =	vmul.f32 $6.400000000e+01, v7;
	[tilespmem:s14+$0x10] =	vst v3  }
0x92: {  	v3 =	vld [tilespmem:s29+$0x10];
	v10 =	vmul.f32 $6.400000000e+01, v10;
	[tilespmem:s14+$0x20] =	vst v5  }
0x93: {  	v8 =	vmul.f32 $6.400000000e+01, v8;
	v5 =	vld [tilespmem:s29+$0x20];
	[tilespmem:s14+$0xFFFFFFC0] =	vst v7;
	s14 =	sadd.s32 $0x80, s14  }
0x94: {  	v7 =	vld [tilespmem:s29+$0xFFFFFFC0];
	v9 =	vmul.f32 $6.400000000e+01, v9;
	[tilespmem:s14+$0x30] =	vst v10;
	s29 =	sadd.s32 $0x80, s29  }
0x95: {  	[tilespmem:s14+$0xFFFFFFD0] =	vst v8;
	v6 =	vmul.f32 $6.400000000e+01, v6  }
0x96: {  	[tilespmem:s14+$0xFFFFFFE0] =	vst v9;
	v4 =	vmul.f32 $6.400000000e+01, v4  }
0x97: {  	[tilespmem:s14+$0xFFFFFFF0] =	vst v6;
	v3 =	vmul.f32 $6.400000000e+01, v3  }
0x98: {  	[tilespmem:s14+$0x0] =	vst v4;
	v62 =	vmul.f32 $6.400000000e+01, v5  }
0x99: {  	v63 =	vmul.f32 $6.400000000e+01, v7;
	[tilespmem:s14+$0x10] =	vst v3  }
0x9a: {  	[tilespmem:s14+$0x20] =	vst v62  }
0x9b: {  	[tilespmem:s14+$0xFFFFFFC0] =	vst v63  }
0x9c: {  	s14 =	rddreg [dreg:$0xf]  }
0x9d: {  	[hbm4b:s14+s3] =	stream.linear.scatter [tilespmem:s21], [sflag:$0x8], $0x3E80, $0x38;
	[tilespmem:$0x1F580] =	vst v63  }
0x9e: {  	s31 =	simm.s32 $0x1;
	s30 =	rddreg [dreg:$0x10]  }
0x9f: {  	[tilespmem:s8], [sflag:$0x4] =	stream.linear.gather [hbm4b:s30+s3], $0x3E80, $0x38;
	[tilespmem:$0x1F580] =	vst v63  }
.LBB2_10:
0xa0: {  	_ =	swait.ge [sflag:s9], $0x3E80  }
0xa1: {  	[sflag:s9] =	ssyncset.done $0x0  }
0xa2: {  	[sflag:s9] =	ssyncadd.s32 $0xFFFFC180  }
0xa3: {  	_ =	swait.ge [sflag:s23], $0x3E80  }
0xa4: {  	[sflag:s23] =	ssyncset.done $0x0  }
0xa5: {  	s29 =	simm.s32 $0x40;
	[sflag:s23] =	ssyncadd.s32 $0xFFFFC180  }
0xa6: {  	v5 =	vld [tilespmem:s29+$0x30]  }
0xa7: {  	v7 =	vld [tilespmem:s29+$0xFFFFFFD0]  }
0xa8: {  	v9 =	vld [tilespmem:s29+$0xFFFFFFE0]  }
0xa9: {  	v6 =	vld [tilespmem:s29+$0xFFFFFFF0]  }
0xaa: {  	v4 =	vld [tilespmem:s29+$0x0]  }
0xab: {  	v3 =	vld [tilespmem:s29+$0x10];
	v10 =	vmul.f32 $6.400000000e+01, v5  }
0xac: {  	s28 =	simm.s32 $0xFA40;
	v5 =	vld [tilespmem:s29+$0x20];
	v8 =	vmul.f32 $6.400000000e+01, v7  }
0xad: {  	s14 =	simm.s32 $0x0;
	v7 =	vld [tilespmem:s29+$0xFFFFFFC0];
	v9 =	vmul.f32 $6.400000000e+01, v9;
	s29 =	simm.s32 $0xC0;
	[tilespmem:s28+$0x30] =	vst v10  }
.LBB2_11:
0xae: {  	v10 =	vld [tilespmem:s29+$0x30];
	s14 =	sadd.s32 $0x80, s14;
	[tilespmem:s28+$0xFFFFFFD0] =	vst v8;
	v6 =	vmul.f32 $6.400000000e+01, v6  }
0xaf: {  	v8 =	vld [tilespmem:s29+$0xFFFFFFD0];
	p0 =	slt.u32 s14, $0x3E00;
	[tilespmem:s28+$0xFFFFFFE0] =	vst v9;
	v4 =	vmul.f32 $6.400000000e+01, v4  }
0xb0: {  	v9 =	vld [tilespmem:s29+$0xFFFFFFE0];
	[tilespmem:s28+$0xFFFFFFF0] =	vst v6;
	v3 =	vmul.f32 $6.400000000e+01, v3  }
.Ltmp4:
0xb1: {  	v6 =	vld [tilespmem:s29+$0xFFFFFFF0];
	[tilespmem:s28+$0x0] =	vst v4;
	v5 =	vmul.f32 $6.400000000e+01, v5;
	(pc) =	sbr.rel @p0 .LBB2_11-.Ltmp4, $4  }
0xb2: {  	v4 =	vld [tilespmem:s29+$0x0];
	v7 =	vmul.f32 $6.400000000e+01, v7;
	[tilespmem:s28+$0x10] =	vst v3  }
0xb3: {  	v3 =	vld [tilespmem:s29+$0x10];
	v10 =	vmul.f32 $6.400000000e+01, v10;
	[tilespmem:s28+$0x20] =	vst v5  }
0xb4: {  	v8 =	vmul.f32 $6.400000000e+01, v8;
	v5 =	vld [tilespmem:s29+$0x20];
	[tilespmem:s28+$0xFFFFFFC0] =	vst v7;
	s28 =	sadd.s32 $0x80, s28  }
0xb5: {  	v7 =	vld [tilespmem:s29+$0xFFFFFFC0];
	v9 =	vmul.f32 $6.400000000e+01, v9;
	[tilespmem:s28+$0x30] =	vst v10;
	s29 =	sadd.s32 $0x80, s29  }
0xb6: {  	[tilespmem:s28+$0xFFFFFFD0] =	vst v8;
	v6 =	vmul.f32 $6.400000000e+01, v6  }
0xb7: {  	[tilespmem:s28+$0xFFFFFFE0] =	vst v9;
	v4 =	vmul.f32 $6.400000000e+01, v4  }
0xb8: {  	s14 =	smul.u32 $0xFA00, s31;
	[tilespmem:s28+$0xFFFFFFF0] =	vst v6;
	v3 =	vmul.f32 $6.400000000e+01, v3  }
0xb9: {  	[tilespmem:s28+$0x0] =	vst v4;
	v4 =	vmul.f32 $6.400000000e+01, v5  }
0xba: {  	s29 =	sadd.s32 s4, s14;
	v5 =	vmul.f32 $6.400000000e+01, v7;
	[tilespmem:s28+$0x10] =	vst v3  }
0xbb: {  	s29 =	sshrl.u32 s29, $0x3;
	[tilespmem:s28+$0x20] =	vst v4  }
0xbc: {  	[tilespmem:s28+$0xFFFFFFC0] =	vst v5;
	s28 =	sadd.s32 s5, s29  }
0xbd: {  	[hbm4b:s28+s3] =	stream.linear.scatter [tilespmem:s10], [sflag:$0x5], $0x3E80, $0x38;
	[tilespmem:$0x1F580] =	vst v63  }
0xbe: {  	s28 =	sadd.s32 s14, s12  }
0xbf: {  	s28 =	sshrl.u32 s28, $0x3  }
0xc0: {  	s28 =	sadd.s32 s1, s28  }
0xc1: {  	[tilespmem:s3], [sflag:$0x1] =	stream.linear.gather [hbm4b:s28+s3], $0x3E80, $0x38;
	[tilespmem:$0x1F580] =	vst v63  }
0xc2: {  	_ =	swait.ge [sflag:s15], $0x3E80  }
0xc3: {  	[sflag:s15] =	ssyncset.done $0x0  }
0xc4: {  	[sflag:s15] =	ssyncadd.s32 $0xFFFFC180  }
0xc5: {  	_ =	swait.ge [sflag:s24], $0x3E80  }
0xc6: {  	[sflag:s24] =	ssyncset.done $0x0  }
0xc7: {  	s30 =	simm.s32 $0x3EC0;
	[sflag:s24] =	ssyncadd.s32 $0xFFFFC180  }
0xc8: {  	v5 =	vld [tilespmem:s30+$0x30]  }
0xc9: {  	v7 =	vld [tilespmem:s30+$0xFFFFFFD0]  }
0xca: {  	v9 =	vld [tilespmem:s30+$0xFFFFFFE0]  }
0xcb: {  	v6 =	vld [tilespmem:s30+$0xFFFFFFF0]  }
0xcc: {  	v4 =	vld [tilespmem:s30+$0x0]  }
0xcd: {  	v3 =	vld [tilespmem:s30+$0x10];
	v10 =	vmul.f32 $6.400000000e+01, v5  }
0xce: {  	s28 =	simm.s32 $0x138C0;
	v5 =	vld [tilespmem:s30+$0x20];
	v8 =	vmul.f32 $6.400000000e+01, v7  }
0xcf: {  	s29 =	simm.s32 $0x0;
	v7 =	vld [tilespmem:s30+$0xFFFFFFC0];
	v9 =	vmul.f32 $6.400000000e+01, v9;
	s30 =	simm.s32 $0x3F40;
	[tilespmem:s28+$0x30] =	vst v10  }
.LBB2_13:
0xd0: {  	v10 =	vld [tilespmem:s30+$0x30];
	s29 =	sadd.s32 $0x80, s29;
	[tilespmem:s28+$0xFFFFFFD0] =	vst v8;
	v6 =	vmul.f32 $6.400000000e+01, v6  }
0xd1: {  	v8 =	vld [tilespmem:s30+$0xFFFFFFD0];
	p0 =	slt.u32 s29, $0x3E00;
	[tilespmem:s28+$0xFFFFFFE0] =	vst v9;
	v4 =	vmul.f32 $6.400000000e+01, v4  }
0xd2: {  	v9 =	vld [tilespmem:s30+$0xFFFFFFE0];
	[tilespmem:s28+$0xFFFFFFF0] =	vst v6;
	v3 =	vmul.f32 $6.400000000e+01, v3  }
.Ltmp5:
0xd3: {  	v6 =	vld [tilespmem:s30+$0xFFFFFFF0];
	[tilespmem:s28+$0x0] =	vst v4;
	v5 =	vmul.f32 $6.400000000e+01, v5;
	(pc) =	sbr.rel @p0 .LBB2_13-.Ltmp5, $4  }
0xd4: {  	v4 =	vld [tilespmem:s30+$0x0];
	v7 =	vmul.f32 $6.400000000e+01, v7;
	[tilespmem:s28+$0x10] =	vst v3  }
0xd5: {  	v3 =	vld [tilespmem:s30+$0x10];
	v10 =	vmul.f32 $6.400000000e+01, v10;
	[tilespmem:s28+$0x20] =	vst v5  }
0xd6: {  	v8 =	vmul.f32 $6.400000000e+01, v8;
	v5 =	vld [tilespmem:s30+$0x20];
	[tilespmem:s28+$0xFFFFFFC0] =	vst v7;
	s28 =	sadd.s32 $0x80, s28  }
0xd7: {  	v7 =	vld [tilespmem:s30+$0xFFFFFFC0];
	v9 =	vmul.f32 $6.400000000e+01, v9;
	[tilespmem:s28+$0x30] =	vst v10;
	s30 =	sadd.s32 $0x80, s30  }
0xd8: {  	[tilespmem:s28+$0xFFFFFFD0] =	vst v8;
	v6 =	vmul.f32 $6.400000000e+01, v6  }
0xd9: {  	[tilespmem:s28+$0xFFFFFFE0] =	vst v9;
	v4 =	vmul.f32 $6.400000000e+01, v4  }
0xda: {  	[tilespmem:s28+$0xFFFFFFF0] =	vst v6;
	v3 =	vmul.f32 $6.400000000e+01, v3  }
0xdb: {  	[tilespmem:s28+$0x0] =	vst v4;
	v4 =	vmul.f32 $6.400000000e+01, v5  }
0xdc: {  	s29 =	sadd.s32 s14, s6;
	v5 =	vmul.f32 $6.400000000e+01, v7;
	[tilespmem:s28+$0x10] =	vst v3  }
0xdd: {  	s29 =	sshrl.u32 s29, $0x3;
	[tilespmem:s28+$0x20] =	vst v4  }
0xde: {  	[tilespmem:s28+$0xFFFFFFC0] =	vst v5;
	s28 =	sadd.s32 s5, s29  }
0xdf: {  	[hbm4b:s28+s3] =	stream.linear.scatter [tilespmem:s16], [sflag:$0x6], $0x3E80, $0x38;
	[tilespmem:$0x1F580] =	vst v63  }
0xe0: {  	s28 =	sadd.s32 s14, s13  }
0xe1: {  	s28 =	sshrl.u32 s28, $0x3  }
0xe2: {  	s28 =	sadd.s32 s1, s28  }
0xe3: {  	[tilespmem:s2], [sflag:$0x2] =	stream.linear.gather [hbm4b:s28+s3], $0x3E80, $0x38;
	[tilespmem:$0x1F580] =	vst v63  }
0xe4: {  	_ =	swait.ge [sflag:s17], $0x3E80  }
0xe5: {  	[sflag:s17] =	ssyncset.done $0x0  }
0xe6: {  	[sflag:s17] =	ssyncadd.s32 $0xFFFFC180  }
0xe7: {  	_ =	swait.ge [sflag:s25], $0x3E80  }
0xe8: {  	[sflag:s25] =	ssyncset.done $0x0  }
0xe9: {  	s30 =	simm.s32 $0x7D40;
	[sflag:s25] =	ssyncadd.s32 $0xFFFFC180  }
0xea: {  	v5 =	vld [tilespmem:s30+$0x30]  }
0xeb: {  	v7 =	vld [tilespmem:s30+$0xFFFFFFD0]  }
0xec: {  	v9 =	vld [tilespmem:s30+$0xFFFFFFE0]  }
0xed: {  	v6 =	vld [tilespmem:s30+$0xFFFFFFF0]  }
0xee: {  	v4 =	vld [tilespmem:s30+$0x0]  }
0xef: {  	v3 =	vld [tilespmem:s30+$0x10];
	v10 =	vmul.f32 $6.400000000e+01, v5  }
0xf0: {  	s28 =	simm.s32 $0x17740;
	v5 =	vld [tilespmem:s30+$0x20];
	v8 =	vmul.f32 $6.400000000e+01, v7  }
0xf1: {  	s29 =	simm.s32 $0x0;
	v7 =	vld [tilespmem:s30+$0xFFFFFFC0];
	v9 =	vmul.f32 $6.400000000e+01, v9;
	s30 =	simm.s32 $0x7DC0;
	[tilespmem:s28+$0x30] =	vst v10  }
.LBB2_15:
0xf2: {  	v10 =	vld [tilespmem:s30+$0x30];
	s29 =	sadd.s32 $0x80, s29;
	[tilespmem:s28+$0xFFFFFFD0] =	vst v8;
	v6 =	vmul.f32 $6.400000000e+01, v6  }
0xf3: {  	v8 =	vld [tilespmem:s30+$0xFFFFFFD0];
	p0 =	slt.u32 s29, $0x3E00;
	[tilespmem:s28+$0xFFFFFFE0] =	vst v9;
	v4 =	vmul.f32 $6.400000000e+01, v4  }
0xf4: {  	v9 =	vld [tilespmem:s30+$0xFFFFFFE0];
	[tilespmem:s28+$0xFFFFFFF0] =	vst v6;
	v3 =	vmul.f32 $6.400000000e+01, v3  }
.Ltmp6:
0xf5: {  	v6 =	vld [tilespmem:s30+$0xFFFFFFF0];
	[tilespmem:s28+$0x0] =	vst v4;
	v5 =	vmul.f32 $6.400000000e+01, v5;
	(pc) =	sbr.rel @p0 .LBB2_15-.Ltmp6, $4  }
0xf6: {  	v4 =	vld [tilespmem:s30+$0x0];
	v7 =	vmul.f32 $6.400000000e+01, v7;
	[tilespmem:s28+$0x10] =	vst v3  }
0xf7: {  	v3 =	vld [tilespmem:s30+$0x10];
	v10 =	vmul.f32 $6.400000000e+01, v10;
	[tilespmem:s28+$0x20] =	vst v5  }
0xf8: {  	v8 =	vmul.f32 $6.400000000e+01, v8;
	v5 =	vld [tilespmem:s30+$0x20];
	[tilespmem:s28+$0xFFFFFFC0] =	vst v7;
	s28 =	sadd.s32 $0x80, s28  }
0xf9: {  	v7 =	vld [tilespmem:s30+$0xFFFFFFC0];
	v9 =	vmul.f32 $6.400000000e+01, v9;
	[tilespmem:s28+$0x30] =	vst v10;
	s30 =	sadd.s32 $0x80, s30  }
0xfa: {  	[tilespmem:s28+$0xFFFFFFD0] =	vst v8;
	v6 =	vmul.f32 $6.400000000e+01, v6  }
0xfb: {  	[tilespmem:s28+$0xFFFFFFE0] =	vst v9;
	v4 =	vmul.f32 $6.400000000e+01, v4  }
0xfc: {  	[tilespmem:s28+$0xFFFFFFF0] =	vst v6;
	v3 =	vmul.f32 $6.400000000e+01, v3  }
0xfd: {  	[tilespmem:s28+$0x0] =	vst v4;
	v4 =	vmul.f32 $6.400000000e+01, v5  }
0xfe: {  	s29 =	sadd.s32 s14, s7;
	v5 =	vmul.f32 $6.400000000e+01, v7;
	[tilespmem:s28+$0x10] =	vst v3  }
0xff: {  	s29 =	sshrl.u32 s29, $0x3;
	[tilespmem:s28+$0x20] =	vst v4  }
0x100: {  	[tilespmem:s28+$0xFFFFFFC0] =	vst v5;
	s28 =	sadd.s32 s5, s29  }
0x101: {  	[hbm4b:s28+s3] =	stream.linear.scatter [tilespmem:s19], [sflag:$0x7], $0x3E80, $0x38;
	[tilespmem:$0x1F580] =	vst v63  }
0x102: {  	s28 =	sadd.s32 s14, s18  }
0x103: {  	s28 =	sshrl.u32 s28, $0x3  }
0x104: {  	s28 =	sadd.s32 s1, s28  }
0x105: {  	[tilespmem:s0], [sflag:$0x3] =	stream.linear.gather [hbm4b:s28+s3], $0x3E80, $0x38;
	[tilespmem:$0x1F580] =	vst v63  }
0x106: {  	_ =	swait.ge [sflag:s20], $0x3E80  }
0x107: {  	[sflag:s20] =	ssyncset.done $0x0  }
0x108: {  	[sflag:s20] =	ssyncadd.s32 $0xFFFFC180  }
0x109: {  	_ =	swait.ge [sflag:s26], $0x3E80  }
0x10a: {  	[sflag:s26] =	ssyncset.done $0x0  }
0x10b: {  	s30 =	simm.s32 $0xBBC0;
	[sflag:s26] =	ssyncadd.s32 $0xFFFFC180  }
0x10c: {  	v5 =	vld [tilespmem:s30+$0x30]  }
0x10d: {  	v7 =	vld [tilespmem:s30+$0xFFFFFFD0]  }
0x10e: {  	v9 =	vld [tilespmem:s30+$0xFFFFFFE0]  }
0x10f: {  	v6 =	vld [tilespmem:s30+$0xFFFFFFF0]  }
0x110: {  	v4 =	vld [tilespmem:s30+$0x0]  }
0x111: {  	v3 =	vld [tilespmem:s30+$0x10];
	v10 =	vmul.f32 $6.400000000e+01, v5  }
0x112: {  	s28 =	simm.s32 $0x1B5C0;
	v5 =	vld [tilespmem:s30+$0x20];
	v8 =	vmul.f32 $6.400000000e+01, v7  }
0x113: {  	s29 =	simm.s32 $0x0;
	v7 =	vld [tilespmem:s30+$0xFFFFFFC0];
	v9 =	vmul.f32 $6.400000000e+01, v9;
	s30 =	simm.s32 $0xBC40;
	[tilespmem:s28+$0x30] =	vst v10  }
.LBB2_17:
0x114: {  	v10 =	vld [tilespmem:s30+$0x30];
	s29 =	sadd.s32 $0x80, s29;
	[tilespmem:s28+$0xFFFFFFD0] =	vst v8;
	v6 =	vmul.f32 $6.400000000e+01, v6  }
0x115: {  	v8 =	vld [tilespmem:s30+$0xFFFFFFD0];
	p0 =	slt.u32 s29, $0x3E00;
	[tilespmem:s28+$0xFFFFFFE0] =	vst v9;
	v4 =	vmul.f32 $6.400000000e+01, v4  }
0x116: {  	v9 =	vld [tilespmem:s30+$0xFFFFFFE0];
	[tilespmem:s28+$0xFFFFFFF0] =	vst v6;
	v3 =	vmul.f32 $6.400000000e+01, v3  }
.Ltmp7:
0x117: {  	v6 =	vld [tilespmem:s30+$0xFFFFFFF0];
	[tilespmem:s28+$0x0] =	vst v4;
	v5 =	vmul.f32 $6.400000000e+01, v5;
	(pc) =	sbr.rel @p0 .LBB2_17-.Ltmp7, $4  }
0x118: {  	v4 =	vld [tilespmem:s30+$0x0];
	v7 =	vmul.f32 $6.400000000e+01, v7;
	[tilespmem:s28+$0x10] =	vst v3  }
0x119: {  	v3 =	vld [tilespmem:s30+$0x10];
	v10 =	vmul.f32 $6.400000000e+01, v10;
	[tilespmem:s28+$0x20] =	vst v5  }
0x11a: {  	v8 =	vmul.f32 $6.400000000e+01, v8;
	v5 =	vld [tilespmem:s30+$0x20];
	[tilespmem:s28+$0xFFFFFFC0] =	vst v7;
	s28 =	sadd.s32 $0x80, s28  }
0x11b: {  	v7 =	vld [tilespmem:s30+$0xFFFFFFC0];
	v9 =	vmul.f32 $6.400000000e+01, v9;
	[tilespmem:s28+$0x30] =	vst v10;
	s30 =	sadd.s32 $0x80, s30  }
0x11c: {  	[tilespmem:s28+$0xFFFFFFD0] =	vst v8;
	v6 =	vmul.f32 $6.400000000e+01, v6  }
0x11d: {  	[tilespmem:s28+$0xFFFFFFE0] =	vst v9;
	v4 =	vmul.f32 $6.400000000e+01, v4  }
0x11e: {  	[tilespmem:s28+$0xFFFFFFF0] =	vst v6;
	v3 =	vmul.f32 $6.400000000e+01, v3  }
0x11f: {  	s31 =	sadd.s32 $0x1, s31;
	[tilespmem:s28+$0x0] =	vst v4;
	v62 =	vmul.f32 $6.400000000e+01, v5  }
0x120: {  	s29 =	sadd.s32 s14, s11;
	p0 =	sne.s32 s31, $0x31;
	v63 =	vmul.f32 $6.400000000e+01, v7;
	[tilespmem:s28+$0x10] =	vst v3  }
.Ltmp8:
0x121: {  	s30 =	sadd.s32 s14, s22;
	s29 =	sshrl.u32 s29, $0x3;
	[tilespmem:s28+$0x20] =	vst v62;
	(pc) =	sbr.rel @p0 .LBB2_10-.Ltmp8, $4  }
0x122: {  	s14 =	sshrl.u32 s30, $0x3;
	s29 =	sadd.s32 s5, s29;
	[tilespmem:s28+$0xFFFFFFC0] =	vst v63  }
0x123: {  	[hbm4b:s29+s3] =	stream.linear.scatter [tilespmem:s21], [sflag:$0x8], $0x3E80, $0x38;
	[tilespmem:$0x1F580] =	vst v63  }
0x124: {  	s14 =	sadd.s32 s1, s14  }
0x125: {  	[tilespmem:s8], [sflag:$0x4] =	stream.linear.gather [hbm4b:s14+s3], $0x3E80, $0x38;
	[tilespmem:$0x1F580] =	vst v63  }
0x126: {  	_ =	swait.ge [sflag:s9], $0x3E80  }
0x127: {  	[sflag:s9] =	ssyncset.done $0x0  }
0x128: {  	[sflag:s9] =	ssyncadd.s32 $0xFFFFC180  }
0x129: {  	_ =	swait.ge [sflag:s23], $0x3E80  }
0x12a: {  	[sflag:s23] =	ssyncset.done $0x0  }
0x12b: {  	s29 =	simm.s32 $0x40;
	[sflag:s23] =	ssyncadd.s32 $0xFFFFC180  }
0x12c: {  	v5 =	vld [tilespmem:s29+$0x30]  }
0x12d: {  	v7 =	vld [tilespmem:s29+$0xFFFFFFD0]  }
0x12e: {  	v9 =	vld [tilespmem:s29+$0xFFFFFFE0]  }
0x12f: {  	v6 =	vld [tilespmem:s29+$0xFFFFFFF0]  }
0x130: {  	v4 =	vld [tilespmem:s29+$0x0]  }
0x131: {  	v3 =	vld [tilespmem:s29+$0x10];
	v10 =	vmul.f32 $6.400000000e+01, v5  }
0x132: {  	s14 =	simm.s32 $0xFA40;
	v5 =	vld [tilespmem:s29+$0x20];
	v8 =	vmul.f32 $6.400000000e+01, v7  }
0x133: {  	s28 =	simm.s32 $0x0;
	v7 =	vld [tilespmem:s29+$0xFFFFFFC0];
	v9 =	vmul.f32 $6.400000000e+01, v9;
	s29 =	simm.s32 $0xC0;
	[tilespmem:s14+$0x30] =	vst v10  }
.LBB2_20:
0x134: {  	v10 =	vld [tilespmem:s29+$0x30];
	s28 =	sadd.s32 $0x80, s28;
	[tilespmem:s14+$0xFFFFFFD0] =	vst v8;
	v6 =	vmul.f32 $6.400000000e+01, v6  }
0x135: {  	v8 =	vld [tilespmem:s29+$0xFFFFFFD0];
	p0 =	slt.u32 s28, $0x3E00;
	[tilespmem:s14+$0xFFFFFFE0] =	vst v9;
	v4 =	vmul.f32 $6.400000000e+01, v4  }
0x136: {  	v9 =	vld [tilespmem:s29+$0xFFFFFFE0];
	[tilespmem:s14+$0xFFFFFFF0] =	vst v6;
	v3 =	vmul.f32 $6.400000000e+01, v3  }
.Ltmp9:
0x137: {  	v6 =	vld [tilespmem:s29+$0xFFFFFFF0];
	[tilespmem:s14+$0x0] =	vst v4;
	v5 =	vmul.f32 $6.400000000e+01, v5;
	(pc) =	sbr.rel @p0 .LBB2_20-.Ltmp9, $4  }
0x138: {  	v4 =	vld [tilespmem:s29+$0x0];
	v7 =	vmul.f32 $6.400000000e+01, v7;
	[tilespmem:s14+$0x10] =	vst v3  }
0x139: {  	v3 =	vld [tilespmem:s29+$0x10];
	v10 =	vmul.f32 $6.400000000e+01, v10;
	[tilespmem:s14+$0x20] =	vst v5  }
0x13a: {  	v8 =	vmul.f32 $6.400000000e+01, v8;
	v5 =	vld [tilespmem:s29+$0x20];
	[tilespmem:s14+$0xFFFFFFC0] =	vst v7;
	s14 =	sadd.s32 $0x80, s14  }
0x13b: {  	v7 =	vld [tilespmem:s29+$0xFFFFFFC0];
	v9 =	vmul.f32 $6.400000000e+01, v9;
	[tilespmem:s14+$0x30] =	vst v10;
	s29 =	sadd.s32 $0x80, s29  }
0x13c: {  	[tilespmem:s14+$0xFFFFFFD0] =	vst v8;
	v6 =	vmul.f32 $6.400000000e+01, v6  }
0x13d: {  	[tilespmem:s14+$0xFFFFFFE0] =	vst v9;
	v4 =	vmul.f32 $6.400000000e+01, v4  }
0x13e: {  	[tilespmem:s14+$0xFFFFFFF0] =	vst v6;
	v3 =	vmul.f32 $6.400000000e+01, v3  }
0x13f: {  	[tilespmem:s14+$0x0] =	vst v4;
	v4 =	vmul.f32 $6.400000000e+01, v5  }
0x140: {  	v5 =	vmul.f32 $6.400000000e+01, v7;
	[tilespmem:s14+$0x10] =	vst v3  }
0x141: {  	[tilespmem:s14+$0x20] =	vst v4  }
0x142: {  	[tilespmem:s14+$0xFFFFFFC0] =	vst v5  }
0x143: {  	s14 =	rddreg [dreg:$0x12]  }
0x144: {  	[hbm4b:s14+s3] =	stream.linear.scatter [tilespmem:s10], [sflag:$0x5], $0x3E80, $0x38;
	[tilespmem:$0x1F580] =	vst v63  }
0x145: {  	_ =	swait.ge [sflag:s15], $0x3E80  }
0x146: {  	[sflag:s15] =	ssyncset.done $0x0  }
0x147: {  	[sflag:s15] =	ssyncadd.s32 $0xFFFFC180  }
0x148: {  	_ =	swait.ge [sflag:s24], $0x3E80  }
0x149: {  	[sflag:s24] =	ssyncset.done $0x0  }
0x14a: {  	s29 =	simm.s32 $0x3EC0;
	[sflag:s24] =	ssyncadd.s32 $0xFFFFC180  }
0x14b: {  	v5 =	vld [tilespmem:s29+$0x30]  }
0x14c: {  	v7 =	vld [tilespmem:s29+$0xFFFFFFD0]  }
0x14d: {  	v9 =	vld [tilespmem:s29+$0xFFFFFFE0]  }
0x14e: {  	v6 =	vld [tilespmem:s29+$0xFFFFFFF0]  }
0x14f: {  	v4 =	vld [tilespmem:s29+$0x0]  }
0x150: {  	v3 =	vld [tilespmem:s29+$0x10];
	v10 =	vmul.f32 $6.400000000e+01, v5  }
0x151: {  	s14 =	simm.s32 $0x138C0;
	v5 =	vld [tilespmem:s29+$0x20];
	v8 =	vmul.f32 $6.400000000e+01, v7  }
0x152: {  	s28 =	simm.s32 $0x0;
	v7 =	vld [tilespmem:s29+$0xFFFFFFC0];
	v9 =	vmul.f32 $6.400000000e+01, v9;
	s29 =	simm.s32 $0x3F40;
	[tilespmem:s14+$0x30] =	vst v10  }
.LBB2_22:
0x153: {  	v10 =	vld [tilespmem:s29+$0x30];
	s28 =	sadd.s32 $0x80, s28;
	[tilespmem:s14+$0xFFFFFFD0] =	vst v8;
	v6 =	vmul.f32 $6.400000000e+01, v6  }
0x154: {  	v8 =	vld [tilespmem:s29+$0xFFFFFFD0];
	p0 =	slt.u32 s28, $0x3E00;
	[tilespmem:s14+$0xFFFFFFE0] =	vst v9;
	v4 =	vmul.f32 $6.400000000e+01, v4  }
0x155: {  	v9 =	vld [tilespmem:s29+$0xFFFFFFE0];
	[tilespmem:s14+$0xFFFFFFF0] =	vst v6;
	v3 =	vmul.f32 $6.400000000e+01, v3  }
.Ltmp10:
0x156: {  	v6 =	vld [tilespmem:s29+$0xFFFFFFF0];
	[tilespmem:s14+$0x0] =	vst v4;
	v5 =	vmul.f32 $6.400000000e+01, v5;
	(pc) =	sbr.rel @p0 .LBB2_22-.Ltmp10, $4  }
0x157: {  	v4 =	vld [tilespmem:s29+$0x0];
	v7 =	vmul.f32 $6.400000000e+01, v7;
	[tilespmem:s14+$0x10] =	vst v3  }
0x158: {  	v3 =	vld [tilespmem:s29+$0x10];
	v10 =	vmul.f32 $6.400000000e+01, v10;
	[tilespmem:s14+$0x20] =	vst v5  }
0x159: {  	v8 =	vmul.f32 $6.400000000e+01, v8;
	v5 =	vld [tilespmem:s29+$0x20];
	[tilespmem:s14+$0xFFFFFFC0] =	vst v7;
	s14 =	sadd.s32 $0x80, s14  }
0x15a: {  	v7 =	vld [tilespmem:s29+$0xFFFFFFC0];
	v9 =	vmul.f32 $6.400000000e+01, v9;
	[tilespmem:s14+$0x30] =	vst v10;
	s29 =	sadd.s32 $0x80, s29  }
0x15b: {  	[tilespmem:s14+$0xFFFFFFD0] =	vst v8;
	v6 =	vmul.f32 $6.400000000e+01, v6  }
0x15c: {  	[tilespmem:s14+$0xFFFFFFE0] =	vst v9;
	v4 =	vmul.f32 $6.400000000e+01, v4  }
0x15d: {  	[tilespmem:s14+$0xFFFFFFF0] =	vst v6;
	v3 =	vmul.f32 $6.400000000e+01, v3  }
0x15e: {  	[tilespmem:s14+$0x0] =	vst v4;
	v4 =	vmul.f32 $6.400000000e+01, v5  }
0x15f: {  	v5 =	vmul.f32 $6.400000000e+01, v7;
	[tilespmem:s14+$0x10] =	vst v3  }
0x160: {  	[tilespmem:s14+$0x20] =	vst v4  }
0x161: {  	[tilespmem:s14+$0xFFFFFFC0] =	vst v5  }
0x162: {  	s14 =	rddreg [dreg:$0x13]  }
0x163: {  	[hbm4b:s14+s3] =	stream.linear.scatter [tilespmem:s16], [sflag:$0x6], $0x3E80, $0x38;
	[tilespmem:$0x1F580] =	vst v63  }
0x164: {  	_ =	swait.ge [sflag:s17], $0x3E80  }
0x165: {  	[sflag:s17] =	ssyncset.done $0x0  }
0x166: {  	[sflag:s17] =	ssyncadd.s32 $0xFFFFC180  }
0x167: {  	_ =	swait.ge [sflag:s25], $0x3E80  }
0x168: {  	[sflag:s25] =	ssyncset.done $0x0  }
0x169: {  	s29 =	simm.s32 $0x7D40;
	[sflag:s25] =	ssyncadd.s32 $0xFFFFC180  }
0x16a: {  	v5 =	vld [tilespmem:s29+$0x30]  }
0x16b: {  	v7 =	vld [tilespmem:s29+$0xFFFFFFD0]  }
0x16c: {  	v9 =	vld [tilespmem:s29+$0xFFFFFFE0]  }
0x16d: {  	v6 =	vld [tilespmem:s29+$0xFFFFFFF0]  }
0x16e: {  	v4 =	vld [tilespmem:s29+$0x0]  }
0x16f: {  	v3 =	vld [tilespmem:s29+$0x10];
	v10 =	vmul.f32 $6.400000000e+01, v5  }
0x170: {  	s14 =	simm.s32 $0x17740;
	v5 =	vld [tilespmem:s29+$0x20];
	v8 =	vmul.f32 $6.400000000e+01, v7  }
0x171: {  	s28 =	simm.s32 $0x0;
	v7 =	vld [tilespmem:s29+$0xFFFFFFC0];
	v9 =	vmul.f32 $6.400000000e+01, v9;
	s29 =	simm.s32 $0x7DC0;
	[tilespmem:s14+$0x30] =	vst v10  }
.LBB2_24:
0x172: {  	v10 =	vld [tilespmem:s29+$0x30];
	s28 =	sadd.s32 $0x80, s28;
	[tilespmem:s14+$0xFFFFFFD0] =	vst v8;
	v6 =	vmul.f32 $6.400000000e+01, v6  }
0x173: {  	v8 =	vld [tilespmem:s29+$0xFFFFFFD0];
	p0 =	slt.u32 s28, $0x3E00;
	[tilespmem:s14+$0xFFFFFFE0] =	vst v9;
	v4 =	vmul.f32 $6.400000000e+01, v4  }
0x174: {  	v9 =	vld [tilespmem:s29+$0xFFFFFFE0];
	[tilespmem:s14+$0xFFFFFFF0] =	vst v6;
	v3 =	vmul.f32 $6.400000000e+01, v3  }
.Ltmp11:
0x175: {  	v6 =	vld [tilespmem:s29+$0xFFFFFFF0];
	[tilespmem:s14+$0x0] =	vst v4;
	v5 =	vmul.f32 $6.400000000e+01, v5;
	(pc) =	sbr.rel @p0 .LBB2_24-.Ltmp11, $4  }
0x176: {  	v4 =	vld [tilespmem:s29+$0x0];
	v7 =	vmul.f32 $6.400000000e+01, v7;
	[tilespmem:s14+$0x10] =	vst v3  }
0x177: {  	v3 =	vld [tilespmem:s29+$0x10];
	v10 =	vmul.f32 $6.400000000e+01, v10;
	[tilespmem:s14+$0x20] =	vst v5  }
0x178: {  	v8 =	vmul.f32 $6.400000000e+01, v8;
	v5 =	vld [tilespmem:s29+$0x20];
	[tilespmem:s14+$0xFFFFFFC0] =	vst v7;
	s14 =	sadd.s32 $0x80, s14  }
0x179: {  	v7 =	vld [tilespmem:s29+$0xFFFFFFC0];
	v9 =	vmul.f32 $6.400000000e+01, v9;
	[tilespmem:s14+$0x30] =	vst v10;
	s29 =	sadd.s32 $0x80, s29  }
0x17a: {  	[tilespmem:s14+$0xFFFFFFD0] =	vst v8;
	v6 =	vmul.f32 $6.400000000e+01, v6  }
0x17b: {  	[tilespmem:s14+$0xFFFFFFE0] =	vst v9;
	v4 =	vmul.f32 $6.400000000e+01, v4  }
0x17c: {  	[tilespmem:s14+$0xFFFFFFF0] =	vst v6;
	v3 =	vmul.f32 $6.400000000e+01, v3  }
0x17d: {  	[tilespmem:s14+$0x0] =	vst v4;
	v4 =	vmul.f32 $6.400000000e+01, v5  }
0x17e: {  	v5 =	vmul.f32 $6.400000000e+01, v7;
	[tilespmem:s14+$0x10] =	vst v3  }
0x17f: {  	[tilespmem:s14+$0x20] =	vst v4  }
0x180: {  	[tilespmem:s14+$0xFFFFFFC0] =	vst v5  }
0x181: {  	s14 =	rddreg [dreg:$0x14]  }
0x182: {  	[hbm4b:s14+s3] =	stream.linear.scatter [tilespmem:s19], [sflag:$0x7], $0x3E80, $0x38;
	[tilespmem:$0x1F580] =	vst v63  }
0x183: {  	_ =	swait.ge [sflag:s20], $0x3E80  }
0x184: {  	[sflag:s20] =	ssyncset.done $0x0  }
0x185: {  	[sflag:s20] =	ssyncadd.s32 $0xFFFFC180  }
0x186: {  	_ =	swait.ge [sflag:s26], $0x3E80  }
0x187: {  	[sflag:s26] =	ssyncset.done $0x0  }
0x188: {  	s29 =	simm.s32 $0xBBC0;
	[sflag:s26] =	ssyncadd.s32 $0xFFFFC180  }
0x189: {  	v5 =	vld [tilespmem:s29+$0x30]  }
0x18a: {  	v7 =	vld [tilespmem:s29+$0xFFFFFFD0]  }
0x18b: {  	v9 =	vld [tilespmem:s29+$0xFFFFFFE0]  }
0x18c: {  	v6 =	vld [tilespmem:s29+$0xFFFFFFF0]  }
0x18d: {  	v4 =	vld [tilespmem:s29+$0x0]  }
0x18e: {  	v3 =	vld [tilespmem:s29+$0x10];
	v10 =	vmul.f32 $6.400000000e+01, v5  }
0x18f: {  	s14 =	simm.s32 $0x1B5C0;
	v5 =	vld [tilespmem:s29+$0x20];
	v8 =	vmul.f32 $6.400000000e+01, v7  }
0x190: {  	s28 =	simm.s32 $0x0;
	v7 =	vld [tilespmem:s29+$0xFFFFFFC0];
	v9 =	vmul.f32 $6.400000000e+01, v9;
	s29 =	simm.s32 $0xBC40;
	[tilespmem:s14+$0x30] =	vst v10  }
.LBB2_26:
0x191: {  	v10 =	vld [tilespmem:s29+$0x30];
	s28 =	sadd.s32 $0x80, s28;
	[tilespmem:s14+$0xFFFFFFD0] =	vst v8;
	v6 =	vmul.f32 $6.400000000e+01, v6  }
0x192: {  	v8 =	vld [tilespmem:s29+$0xFFFFFFD0];
	p0 =	slt.u32 s28, $0x3E00;
	[tilespmem:s14+$0xFFFFFFE0] =	vst v9;
	v4 =	vmul.f32 $6.400000000e+01, v4  }
0x193: {  	v9 =	vld [tilespmem:s29+$0xFFFFFFE0];
	[tilespmem:s14+$0xFFFFFFF0] =	vst v6;
	v3 =	vmul.f32 $6.400000000e+01, v3  }
.Ltmp12:
0x194: {  	v6 =	vld [tilespmem:s29+$0xFFFFFFF0];
	[tilespmem:s14+$0x0] =	vst v4;
	v5 =	vmul.f32 $6.400000000e+01, v5;
	(pc) =	sbr.rel @p0 .LBB2_26-.Ltmp12, $4  }
0x195: {  	v4 =	vld [tilespmem:s29+$0x0];
	v7 =	vmul.f32 $6.400000000e+01, v7;
	[tilespmem:s14+$0x10] =	vst v3  }
0x196: {  	v3 =	vld [tilespmem:s29+$0x10];
	v10 =	vmul.f32 $6.400000000e+01, v10;
	[tilespmem:s14+$0x20] =	vst v5  }
0x197: {  	v8 =	vmul.f32 $6.400000000e+01, v8;
	v5 =	vld [tilespmem:s29+$0x20];
	[tilespmem:s14+$0xFFFFFFC0] =	vst v7;
	s14 =	sadd.s32 $0x80, s14  }
0x198: {  	v7 =	vld [tilespmem:s29+$0xFFFFFFC0];
	v9 =	vmul.f32 $6.400000000e+01, v9;
	[tilespmem:s14+$0x30] =	vst v10;
	s29 =	sadd.s32 $0x80, s29  }
0x199: {  	[tilespmem:s14+$0xFFFFFFD0] =	vst v8;
	v6 =	vmul.f32 $6.400000000e+01, v6  }
0x19a: {  	[tilespmem:s14+$0xFFFFFFE0] =	vst v9;
	v4 =	vmul.f32 $6.400000000e+01, v4  }
0x19b: {  	[tilespmem:s14+$0xFFFFFFF0] =	vst v6;
	v3 =	vmul.f32 $6.400000000e+01, v3  }
0x19c: {  	[tilespmem:s14+$0x0] =	vst v4;
	v58 =	vmul.f32 $6.400000000e+01, v5  }
0x19d: {  	v59 =	vmul.f32 $6.400000000e+01, v7;
	[tilespmem:s14+$0x10] =	vst v3  }
0x19e: {  	[tilespmem:s14+$0x20] =	vst v58  }
0x19f: {  	[tilespmem:s14+$0xFFFFFFC0] =	vst v59  }
0x1a0: {  	s14 =	rddreg [dreg:$0x15]  }
0x1a1: {  	[hbm4b:s14+s3] =	stream.linear.scatter [tilespmem:s21], [sflag:$0x8], $0x3E80, $0x38;
	[tilespmem:$0x1F580] =	vst v63  }
0x1a2: {  	_ =	swait.ge [sflag:s23], $0x3E80  }
0x1a3: {  	[sflag:s23] =	ssyncset.done $0x0  }
0x1a4: {  	[sflag:s23] =	ssyncadd.s32 $0xFFFFC180  }
0x1a5: {  	_ =	swait.ge [sflag:s24], $0x3E80  }
0x1a6: {  	[sflag:s24] =	ssyncset.done $0x0  }
0x1a7: {  	[sflag:s24] =	ssyncadd.s32 $0xFFFFC180  }
0x1a8: {  	_ =	swait.ge [sflag:s25], $0x3E80  }
0x1a9: {  	[sflag:s25] =	ssyncset.done $0x0  }
0x1aa: {  	[sflag:s25] =	ssyncadd.s32 $0xFFFFC180  }
0x1ab: {  	_ =	swait.ge [sflag:s26], $0x3E80  }
0x1ac: {  	s28 =	simm.s32 $0x1F400;
	[sflag:s26] =	ssyncset.done $0x0  }
0x1ad: {  	s30 =	simm.s32 $0xA;
	s29 =	rddreg [dreg:$0xd];
	[sflag:s26] =	ssyncadd.s32 $0xFFFFC180  }
0x1ae: {  	[tilespmem:s28], [sflag:$0xA] =	stream.linear.gather [hbm4b:s29+s3], $0x20, $0x38;
	[tilespmem:$0x1F580] =	vst v63  }
0x1af: {  	_ =	swait.ge [sflag:s30], $0x20  }
0x1b0: {  	[sflag:s30] =	ssyncset.done $0x0  }
0x1b1: {  	[sflag:s30] =	ssyncadd.s32 $0xFFFFFFE0  }
0x1b2: {  	v3 =	vld [tilespmem:$0x1F400]  }
0x1b3: {  	v60 =	vld [tilespmem:$0x1F410];
	_ =	sdelay $0x3  }
0x1b4: {  	vm0 =	vgt.s32 v3, $0x0  }
0x1b5: {  	vm13 =	vgt.s32 v60, $0x0;
	v3 =	vnsel vm0, $0x0, v3  }
0x1b6: {  	v4 =	vnsel vm13, $0x0, v60;
	v3 =	vadd.s32 v3, v0  }
0x1b7: {  	s31 =	simm.s32 $0x20;
	[tilespmem:$0x1F480] =	vst v3;
	v3 =	vadd.s32 v4, v1  }
0x1b8: {  	s28 =	simm.s32 $0x1F480;
	s29 =	simm.s32 $0x1F500;
	s30 =	simm.s32 $0x9;
	[tilespmem:$0x1F490] =	vst v3  }
0x1b9: {  	[tilespmem:s29], [sflag:$0x9] =	stream.indirect.gather [hbm4b:s5+s31], $0x1, s28, s31, $0xb8;
	[tilespmem:$0x1F580] =	vst v63  }
0x1ba: {  	_ =	swait.ge [sflag:s30], $0x20  }
0x1bb: {  	[sflag:s30] =	ssyncset.done $0x0  }
0x1bc: {  	[sflag:s30] =	ssyncadd.s32 $0xFFFFFFE0  }
0x1bd: {  	v3 =	vld [tilespmem:$0x1F400]  }
0x1be: {  	v61 =	vld [tilespmem:$0x1F410]  }
0x1bf: {  	v62 =	vld [tilespmem:$0x1F500]  }
0x1c0: {  	v63 =	vld [tilespmem:$0x1F510];
	_ =	sdelay $0x1  }
0x1c1: {  	vm14 =	vgt.s32 v3, $0xFFFFFFFF  }
0x1c2: {  	vm15 =	vgt.s32 v61, $0xFFFFFFFF;
	v3 =	vsel vm14, $0x41CCCCCD, v2  }
0x1c3: {  	v4 =	vsel vm15, $0x41CCCCCD, v2;
	v3 =	vsub.f32 v62, v3  }
0x1c4: {  	v4 =	vsub.f32 v63, v4  }
0x1c5: {  	[tilespmem:$0x1F500] =	vst v3  }
0x1c6: {  	[tilespmem:$0x1F510] =	vst v4  }
0x1c7: {  	[hbm4b:s5+s31] =	stream.indirect.scatter [tilespmem:s29], [sflag:$0x9], $0x1, s28, s31, $0xb8;
	[tilespmem:$0x1F580] =	vst v63  }
0x1c8: {  	_ =	swait.ge [sflag:s30], $0x20  }
0x1c9: {  	s28 =	rddreg [dreg:$0x16]  }
0x1ca: {  	s31 =	rddreg [dreg:$0x11];
	s28 =	sadd.s32 $0x1, s28  }
0x1cb: {  	p0 =	sne.s32 s28, s31  }
.Ltmp13:
0x1cc: {  	_ = 	snop;
	(pc) =	sbr.rel @p0 .LBB2_1-.Ltmp13, $3  }
0x1cd: {  	_ =	sdelay $0x1  }
0x1ce: {  	[sflag:s30] =	ssyncset.done $0x0  }
0x1cf: {  	[sflag:s30] =	ssyncadd.s32 $0xFFFFFFE0  }
0x1d0: {  	_ =	sfence.sel $0x180000  }
0x1d1: {  	[bflag:$0x0] =	sbarrier.arrive $0xFFFF  }
0x1d2: {  	_ =	strace $0x90000047  }
0x1d3: {  	s0 =	stileid.u32;
	[bflag:$0x2] =	sbarrier.arrive $0xFFFF  }
0x1d4: {  	p0 =	sne.s32 s0, $0x0;
	s0 =	rddreg [dreg:$0x3]  }
0x1d5: {  	s0 =	sadd.s32 @!p0 $0x100000, s0  }
0x1d6: {  	[sflag:s0] =	ssyncadd.tile.s32 @!p0 $0x1;
	_ =	shalt  }
.Lfunc_end2:
_tile_overlayer_lowered:
.L_overlay_start_2:
0x1d7: {  	(tag) =	ssettag $0x2  }
0x1d8: {  	s0 =	rddreg [dreg:$0x0];
	s2 =	stileid.u32  }
0x1d9: {  	s1 =	rddreg [dreg:$0x1];
	p0 =	sne.s32 s2, $0x0  }
0x1da: {  	s3 =	rddreg [dreg:$0x2];
	[bflag:$0x3] =	sbarrier.arrive $0xFFFF;
	s2 =	simm.s32 @!p0 $0x1C0A  }
0x1db: {  	[timem:s3], [sflag:s2] =	dma.local @!p0 [hbm:s0], s1  }
0x1dc: {  	s0 =	simm.s32 @!p0 $0xA  }
0x1dd: {  	_ =	swait.ge @!p0 [sflag:s0], s1  }
0x1de: {  	s1 =	ssub.s32 @!p0 $0x0, s1;
	[sflag:s0] =	ssyncset.done @!p0 $0x0  }
0x1df: {  	[sflag:s0] =	ssyncadd.s32 @!p0 s1  }
0x1e0: {  	[bflag:$0x3] =	sbarrier.arrive $0xFFFF  }
0x1e1: {  	_ =	shalt  }

// kernel: sparse-core-data-format-call.cloned.1.call-start
scs
called_computation_lowered:
.L_overlay_start_0:
0x0: {  	s2 =	sld [smem:$0x3FD9]  }
0x1: {  	s3 =	sld [smem:$0x3FFE];
	_ =	sdelay $0x1  }
0x2: {  	s1 =	srdreg.scid  }
0x3: {  	s0 =	sand.u32 $0x1, s1  }
0x4: {  	s18 =	sshll.u32 s0, $0xA;
	s2 =	sadd.s32 s3, s2  }
0x5: {  	s2 =	sadd.s32 s2, s18  }
0x6: {  	[smem:$0x3FC6] =	sst s2  }
0x7: {  	_ = 	snop  }
0x8: {  	s2 =	sld [smem:$0x3FD0];
	(tm) =	ssettm $0x1  }
0x9: {  	s19 =	sld [smem:$0x3FFB];
	_ =	sdelay $0x3  }
0xa: {  	_ =	strace s19  }
0xb: {  	s3 =	sld [smem:$0x3FFC];
	_ =	sdelay $0x3  }
0xc: {  	_ =	strace s3  }
0xd: {  	s3 =	sld [smem:$0x3FFD];
	_ =	sdelay $0x3  }
0xe: {  	_ =	strace s3  }
0xf: {  	_ =	strace $0x8FFFFFFF  }
0x10: {  	s20 =	sld [smem:$0x3FDB];
	_ =	sdelay $0x1  }
0x11: {  	s4 =	simm.s32 $_scs_section_size  }
0x12: {  	s5 =	simm.s32 $_size__tile_overlayer_lowered;
	s6 =	simm.s32 $_tile_overlayer_lowered  }
0x13: {  	s23 =	simm.s32 $0x1BFF;
	s22 =	sshll.u32 s6, $0x1;
	s3 =	sadd.s32 s4, s20  }
0x14: {  	s7 =	simm.s32 $0x0;
	s21 =	sshll.u32 s5, $0x1;
	s5 =	sadd.s32 s22, s3  }
0x15: {  	[timem:s7], [sflag:s23] =	dma.local [hbm:s5], s21  }
0x16: {  	_ =	swait.ge [sflag:s23], s21  }
0x17: {  	s4 =	ssub.s32 $0x0, s21;
	[sflag:s23] =	ssyncset.done $0x0  }
0x18: {  	[sflag:s23] =	ssyncadd.s32 s4;
	_ =	sdelay $0x1  }
0x19: {  	s24 =	simm.s32 $0x1B8B  }
0x1a: {  	_ =	swait.ge [sflag:s24], $0x1  }
0x1b: {  	[sflag:s24] =	ssyncset.done $0x0  }
0x1c: {  	s26 =	simm.s32 $0x1B8E;
	s25 =	sld [smem:$0x3FFE];
	[sflag:s24] =	ssyncadd.s32 $0xFFFFFFFF  }
0x1d: {  	s27 =	simm.s32 $execute0_lowered;
	[smem:$0x3FD2] =	sst s26  }
0x1e: {  	s5 =	sshll.u32 s27, $0x1;
	_ =	strace $0x80000049;
	[dreg:$0x1] =	wrdreg $0xFFFFFFFF  }
0x1f: {  	s28 =	simm.s32 $_size_execute0_lowered;
	s3 =	sadd.s32 s3, s5;
	[dreg:$0x0] =	wrdreg $0x0  }
0x20: {  	s5 =	sshll.u32 s28, $0x1;
	[dreg:$0x2] =	wrdreg s3  }
0x21: {  	[dreg:$0x3] =	wrdreg s5  }
0x22: {  	[dreg:$0x4] =	wrdreg $0xC0  }
0x23: {  	_ =	task [dreg:s7], $0x5FFFF  }
0x24: {  	[dreg:$0x1] =	wrdreg $0xFFFFFFFF  }
0x25: {  	[dreg:$0x0] =	wrdreg $0x60  }
0x26: {  	[dreg:$0x2] =	wrdreg s25  }
0x27: {  	[dreg:$0x3] =	wrdreg s2  }
0x28: {  	[dreg:$0x4] =	wrdreg $0x9  }
0x29: {  	_ =	task.clear_ibuf [dreg:s7], $0x5FFFF;
	_ =	strace $0x90000049  }
0x2a: {  	s29 =	simm.s32 $0x9;
	_ =	strace $0x8000004B  }
0x2b: {  	_ =	swait.ge [sflag:s29], $0x1  }
0x2c: {  	[sflag:s29] =	ssyncadd.s32 $0xFFFFFFFF  }
0x2d: {  	_ =	strace $0x9000004B  }
0x2e: {  	_ =	sfence  }
0x2f: {  	s30 =	sld [smem:$0x0];
	_ =	sdelay $0x2  }
0x30: {  	s31 =	sshll.u32 s1, $0xD;
	s1 =	sshrl.u32 s1, $0x2  }
0x31: {  	s3 =	sand.u32 $0x4000, s31;
	s1 =	sadd.s32 s1, s30  }
0x32: {  	s0 =	sor.u32 s3, s0;
	s1 =	sshll.u32 s1, $0x11  }
0x33: {  	s0 =	sor.u32 s1, s0  }
0x34: {  	s0 =	sadd.s32 $0x8F2B, s0  }
0x35: {  	[sflag:s0] =	ssyncadd.remote.s32 $0x1  }
0x36: {  	_ =	sfence.sel $0xFFFF  }
0x37: {  	[dreg:$0x0] =	wrdreg $0xFFFFFFFF;
	(pc) =	sbr.abs _section_cstart, $3  }
0x38: {  	[dreg:$0x1] =	wrdreg $0xFFFFFFFF  }
0x39: {  	_ =	task.clear_ibuf [dreg:s7], $0x2FFFF;
	_ =	strace $0x9FFFFFFF  }
0x3a: {  	(tm) =	ssettm $0x7FFFFFFF  }
0x3b: {  	_ =	shalt  }
tec
execute0_lowered:
.L_overlay_start_1:
0x0: {  	(tag) =	ssettag $0x1  }
0x1: {  	s0 =	stileid.u32  }
0x2: {  	s2 =	srdreg.scid;
	s7 =	rddreg [dreg:$0x0]  }
0x3: {  	s6 =	simm.s32 $0x1;
	s31 =	simm.s32 $0x2;
	s16 =	simm.s32 $0x0  }
0x4: {  	s9 =	simm.s32 $0x2000;
	s15 =	simm.s32 $0x0;
	s10 =	simm.s32 $0x0  }
0x5: {  	s11 =	simm.s32 $0x0;
	s14 =	simm.s32 $0x0;
	s1 =	sshll.u32 s0, $0x7  }
0x6: {  	s3 =	sshll.u32 s0, $0x4;
	s2 =	sshll.u32 s2, $0x8;
	s1 =	sand.u32 $0x380, s1  }
0x7: {  	s7 =	sadd.s32 $0xC35800, s7;
	s2 =	sor.u32 s3, s2;
	s5 =	ssub.s32 $0x400, s1  }
0x8: {  	s3 =	rddreg [dreg:$0x1];
	s4 =	sand.u32 $0x180, s2;
	s29 =	sand.u32 $0x380, s5  }
0x9: {  	s30 =	ssub.s32 $0x18680, s4;
	s5 =	sshrl.u32 s5, $0xA;
	p0 =	sne.s32 s29, $0x0  }
.Ltmp0:
0xa: {  	s8 =	sshrl.u32 s30, $0x9;
	s6 =	simm.s32 @!p0 $0x0;
	(pc) =	sbr.rel .LBB1_1-.Ltmp0, $4  }
0xb: {  	s2 =	rddreg [dreg:$0x2];
	s8 =	sadd.s32 $0x1, s8;
	s6 =	sadd.s32 s6, s5  }
0xc: {  	_ =	strace $0x8000004A;
	s5 =	simm.s32 $0x1;
	s6 =	smul.u32 s6, s8  }
0xd: {  	s13 =	smov.u32 s1;
	s12 =	smov.u32 s4;
	[sflag:s5] =	ssyncpa.u1 $0x0  }
0xe: {  	p0 =	por $0x0, $0x0;
	[sflag:s31] =	ssyncpa.u1 $0x0;
	s8 =	sadd.s32 $0x1, s6  }
.LBB1_4:
0xf: {  	s21 =	sshra.s32 s21, $0x2;
	s27 =	sshll.u32 s10, $0xA;
	s22 =	sshll.u32 s11, $0x3  }
0x10: {  	s23 =	sshll.u32 s10, $0x7;
	s24 =	sand.u32 $0x78, s11;
	p1 =	sgt.s32 s10, $0x18620  }
0x11: {  	s25 =	sshra.s32 s10, $0x1F;
	s26 =	sshra.s32 s11, $0x1F;
	s20 =	sadd.s32 s21, s20  }
0x12: {  	v5 =	vld [tilespmem:s18+$0xFFFFFFD0];
	[tilespmem:s19+$0x2040 ss:$0x81] =	vst.msk $0xffff, v4;
	s21 =	sand.u32 $0xFFFFE000, s27;
	s22 =	sand.u32 $0xFFFFFC00, s22;
	s28 =	sand.u32 $0x380, s23  }
0x13: {  	v58 =	vld [tilespmem:s18+$0xFFFFFFE0];
	[tilespmem:s19+$0x2850 ss:$0x81] =	vst.msk $0xffff, v3;
	s23 =	smov.u32 s10;
	s30 =	sand.u32 s25, s10;
	s25 =	smov.u32 s11  }
0x14: {  	v59 =	vld [tilespmem:s18+$0xFFFFFFF0];
	[tilespmem:s19+$0x3060 ss:$0x81] =	vst.msk $0xffff, v2;
	s31 =	sand.u32 s26, s11;
	s21 =	sadd.s32 s22, s21;
	s22 =	sor.u32 s24, s28  }
0x15: {  	v60 =	vld [tilespmem:s18+$0x0];
	[tilespmem:s19+$0x0 ss:$0x81] =	vst.msk $0xffff, v1;
	s23 =	simm.s32 @!p1 $0x18620;
	p1 =	sgt.s32 s11, $0x380;
	s21 =	sshrl.u32 s21, $0xA  }
0x16: {  	v61 =	vld [tilespmem:s18+$0x10];
	[tilespmem:s20+$0x3870 ss:$0x81] =	vst.msk $0xffff, v0;
	s19 =	ssub.s32 s23, s30;
	s25 =	simm.s32 @!p1 $0x380;
	s29 =	smulhi.u32 $0x53E2D7, s21  }
0x17: {  	v62 =	vld [tilespmem:s18+$0x20];
	s23 =	ssub.s32 s25, s31;
	s26 =	sadd.s32 $0xFFFE79E0, s19;
	s19 =	ssub.s32 $0x186A0, s19;
	[tilespmem:s20+$0x810 ss:$0x81] =	vst.msk $0xffff, v5  }
0x18: {  	v63 =	vld [tilespmem:s18+$0xFFFFFFC0];
	[tilespmem:s20+$0x1020 ss:$0x81] =	vst.msk $0xffff, v58;
	p1 =	sgt.s32 s26, $0x7F;
	s28 =	sadd.s32 $0xFFFFFC80, s23;
	s24 =	sshrl.u32 s29, $0x7  }
0x19: {  	[tilespmem:s20+$0x1830 ss:$0x81] =	vst.msk $0xffff, v59;
	s23 =	ssub.s32 $0x400, s23;
	p2 =	sgt.s32 s28, $0x7F;
	s27 =	smul.u32 $0x186A0, s24  }
0x1a: {  	s30 =	sand.u32 $0x7, s11;
	[tilespmem:s20+$0x2040 ss:$0x81] =	vst.msk $0xffff, v60;
	s19 =	simm.s32 @p1 $0x0;
	s23 =	simm.s32 @p2 $0x0  }
0x1b: {  	[tilespmem:s20+$0x2850 ss:$0x81] =	vst.msk $0xffff, v61;
	s29 =	sshrl.u32 s22, $0x3;
	s19 =	smul.u32 s23, s19;
	s18 =	ssub.s32 s21, s27  }
0x1c: {  	[tilespmem:s20+$0x3060 ss:$0x81] =	vst.msk $0xffff, v62;
	s22 =	sshll.u32 s30, $0x12;
	s21 =	sadd.s32 s3, s29;
	s18 =	sshll.u32 s18, $0x7  }
0x1d: {  	[tilespmem:s20+$0x0 ss:$0x81] =	vst.msk $0xffff, v63;
	s31 =	sor.u32 $0x400, s22;
	s19 =	sand.u32 $0x3FFFFFFF, s19;
	s18 =	sadd.s32 s18, s21  }
0x1e: {  	[hbm4b:s18+s31] =	stream.strided.scatter [tilespmem:s17], [sflag:$0x2], s19, s9, s31, $0x20;
	[tilespmem:$0x10100] =	vst v63  }
.LBB1_5:
0x1f: {  	p1 =	slt.u32 s14, $0x2  }
0x20: {  	s18 =	smov.u32 s16;
	p2 =	sgt.s32 @!p1 s16, $0x18620;
	s17 =	sshra.s32 @!p1 s16, $0x1F  }
0x21: {  	p3 =	sgt.s32 @!p1 s15, $0x380;
	s19 =	sshra.s32 @!p1 s15, $0x1F;
	p2 =	por !p2, p1  }
0x22: {  	s16 =	sand.u32 @!p1 s17, s16;
	p3 =	por !p3, p1;
	s17 =	smov.u32 s15  }
0x23: {  	s15 =	sand.u32 @!p1 s19, s15;
	s18 =	simm.s32 @p2 $0x18620;
	s17 =	simm.s32 @p3 $0x380  }
0x24: {  	s16 =	ssub.s32 @!p1 s18, s16;
	s15 =	ssub.s32 @!p1 s17, s15  }
0x25: {  	s19 =	smov.u32 s13;
	s17 =	sadd.s32 @!p1 $0xFFFE79E0, s16;
	s18 =	sadd.s32 @!p1 $0xFFFFFC80, s15  }
0x26: {  	s16 =	ssub.s32 @!p1 $0x186A0, s16;
	p2 =	sgt.s32 @!p1 s17, $0x7F;
	p3 =	sgt.s32 @!p1 s18, $0x7F  }
0x27: {  	s15 =	ssub.s32 @!p1 $0x400, s15;
	p2 =	por !p2, p1;
	p3 =	por !p3, p1  }
0x28: {  	s17 =	sadd.s32 $0x200, s12;
	s16 =	simm.s32 @!p2 $0x0;
	s15 =	simm.s32 @!p3 $0x0  }
0x29: {  	p2 =	sgt.s32 s17, $0x1869F;
	s15 =	smul.u32 @!p1 s15, s16;
	s16 =	sadd.s32 $0x400, s13  }
0x2a: {  	s19 =	smov.u32 @p2 s16  }
0x2b: {  	s17 =	smov.u32 @p2 s4;
	p2 =	sgt.s32 s19, $0x3FF  }
0x2c: {  	s19 =	smov.u32 @p2 s1;
	p2 =	sne.s32 s14, s8  }
.Ltmp1:
0x2d: {  	p0 =	por !p0, !p0;
	s18 =	simm.s32 @!p1 $0x2;
	(pc) =	sbr.rel @!p2 .LBB1_6-.Ltmp1, $4  }
0x2e: {  	s16 =	smov.u32 s10;
	s10 =	smov.u32 s12;
	s15 =	sand.u32 @!p1 $0x3FFFFFFF, s15  }
0x2f: {  	s12 =	smov.u32 s17;
	_ =	swait.ge @!p1 [sflag:s18], s15;
	s20 =	ssub.s32 @!p1 $0x0, s15  }
0x30: {  	s15 =	smov.u32 s11;
	s14 =	sadd.s32 $0x1, s14;
	[sflag:s18] =	ssyncset.done @!p1 $0x0  }
0x31: {  	s11 =	smov.u32 s13;
	s13 =	smov.u32 s19;
	[sflag:s18] =	ssyncadd.s32 @!p1 s20  }
.LBB1_1:
0x32: {  	p1 =	sge.u32 s14, s6  }
0x33: {  	s17 =	sshrl.u32 @!p1 s13, $0x3  }
0x34: {  	s18 =	sshll.u32 @!p1 s12, $0x3;
	s17 =	smul.u32 @!p1 $0xC3800, s17  }
0x35: {  	s19 =	sshll.u32 @!p1 s13, $0x7;
	s18 =	sand.u32 @!p1 $0xFFFFFC00, s18  }
0x36: {  	s17 =	sadd.s32 @!p1 s17, s18;
	s18 =	sand.u32 @!p1 $0x380, s19  }
0x37: {  	s19 =	sand.u32 @!p1 $0x7F, s12;
	s17 =	sor.u32 @!p1 s18, s17  }
0x38: {  	s18 =	sor.u32 @!p1 s19, s17  }
0x39: {  	s19 =	smulhi.u32 @!p1 $0xA79C7B17, s18;
	_ =	sdelay $0x1  }
0x3a: {  	s17 =	smulhi.u32 @!p1 $0xA79C7B17, s17;
	s19 =	sshrl.u32 @!p1 s19, $0x10  }
0x3b: {  	s19 =	smul.u32 @!p1 $0x18700, s19  }
0x3c: {  	s31 =	sadd.s32 $0xFFFFFFFF, s14;
	s20 =	sxor.u32 @!p1 $0xFFFFFFFF, s14;
	s17 =	sshrl.u32 @!p1 s17, $0x10  }
0x3d: {  	s20 =	sshll.u32 @!p1 s20, $0xE;
	s17 =	sand.u32 @!p1 $0x3FF, s17;
	s18 =	ssub.s32 @!p1 s18, s19  }
0x3e: {  	s17 =	smul.u32 @!p1 $0x30E0, s17;
	s19 =	sshrl.u32 @!p1 s18, $0x3;
	s18 =	sand.u32 @!p1 $0x7, s18  }
0x3f: {  	s20 =	sand.u32 @!p1 $0x4000, s20;
	s19 =	sadd.s32 @!p1 s7, s19;
	s18 =	sshll.u32 @!p1 s18, $0x12  }
0x40: {  	s17 =	sadd.s32 @!p1 s17, s19;
	s18 =	sor.u32 @!p1 $0x400, s18;
	s19 =	simm.s32 @!p1 $0xC3800  }
0x41: {  	[tilespmem:s20], [sflag:$0x1] =	stream.strided.gather @!p1 [hbm4b:s17+s18], $0x4000, s19, s18, $0x38;
	[tilespmem:$0x10100] =	vst v63  }
0x42: {  	p1 =	sge.u32 s31, s6  }
.Ltmp2:
0x43: {  	_ = 	snop;
	(pc) =	sbr.rel @p1 .LBB1_5-.Ltmp2, $1  }
0x44: {  	_ =	sdelay $0x3  }
0x45: {  	s17 =	simm.s32 $0x1  }
0x46: {  	_ =	swait.ge [sflag:s5], $0x4000;
	s17 =	simm.s32 @!p0 $0x0  }
0x47: {  	[sflag:s5] =	ssyncset.done $0x0;
	s18 =	sshll.u32 s17, $0xE  }
0x48: {  	[sflag:s5] =	ssyncadd.s32 $0xFFFFC000;
	s18 =	sor.u32 $0x40, s18  }
0x49: {  	s17 =	smul.u32 $0x10200, s17;
	v0 =	vld [tilespmem:s18+$0x30]  }
0x4a: {  	v1 =	vld [tilespmem:s18+$0xFFFFFFD0]  }
0x4b: {  	s17 =	sshrl.u32 s17, $0x2;
	v5 =	vld [tilespmem:s18+$0xFFFFFFE0]  }
0x4c: {  	v6 =	vld [tilespmem:s18+$0xFFFFFFF0];
	s20 =	sor.u32 $0x8000, s17  }
0x4d: {  	s31 =	sand.u32 $0x1, s14;
	v4 =	vld [tilespmem:s18+$0x0];
	s19 =	sadd.s32 $0x0, s20  }
0x4e: {  	v3 =	vld [tilespmem:s18+$0x10];
	s17 =	smul.u32 $0x10200, s31;
	[tilespmem:s19+$0x3870 ss:$0x81] =	vst.msk $0xffff, v0  }
0x4f: {  	v2 =	vld [tilespmem:s18+$0x20];
	[tilespmem:s19+$0x810 ss:$0x81] =	vst.msk $0xffff, v1  }
0x50: {  	s17 =	sshrl.u32 s17, $0x2;
	v1 =	vld [tilespmem:s18+$0xFFFFFFC0];
	[tilespmem:s19+$0x1020 ss:$0x81] =	vst.msk $0xffff, v5;
	s18 =	sadd.s32 $0x80, s18  }
0x51: {  	s21 =	simm.s32 $0x4;
	s22 =	simm.s32 $0x8;
	s17 =	sor.u32 $0x8000, s17;
	[tilespmem:s19+$0x1830 ss:$0x81] =	vst.msk $0xffff, v6;
	v0 =	vld [tilespmem:s18+$0x30]  }
.LBB1_3:
0x52: {  	p1 =	sne.s32 s22, $0x1FC;
	v5 =	vld [tilespmem:s18+$0xFFFFFFD0];
	[tilespmem:s19+$0x2040 ss:$0x81] =	vst.msk $0xffff, v4  }
0x53: {  	v6 =	vld [tilespmem:s18+$0xFFFFFFE0];
	[tilespmem:s19+$0x2850 ss:$0x81] =	vst.msk $0xffff, v3  }
0x54: {  	s23 =	sshra.s32 s21, $0x2;
	s21 =	smov.u32 s22;
	v7 =	vld [tilespmem:s18+$0xFFFFFFF0];
	[tilespmem:s19+$0x3060 ss:$0x81] =	vst.msk $0xffff, v2  }
.Ltmp3:
0x55: {  	v4 =	vld [tilespmem:s18+$0x0];
	[tilespmem:s19+$0x0 ss:$0x81] =	vst.msk $0xffff, v1;
	s19 =	sadd.s32 s23, s20;
	(pc) =	sbr.rel @p1 .LBB1_3-.Ltmp3, $4  }
0x56: {  	v3 =	vld [tilespmem:s18+$0x10];
	[tilespmem:s19+$0x3870 ss:$0x81] =	vst.msk $0xffff, v0  }
0x57: {  	[tilespmem:s19+$0x810 ss:$0x81] =	vst.msk $0xffff, v5;
	v2 =	vld [tilespmem:s18+$0x20]  }
0x58: {  	v1 =	vld [tilespmem:s18+$0xFFFFFFC0];
	[tilespmem:s19+$0x1020 ss:$0x81] =	vst.msk $0xffff, v6;
	s18 =	sadd.s32 $0x80, s18  }
0x59: {  	s22 =	sadd.s32 $0x4, s22;
	v0 =	vld [tilespmem:s18+$0x30];
	[tilespmem:s19+$0x1830 ss:$0x81] =	vst.msk $0xffff, v7  }
.Ltmp4:
0x5a: {  	_ = 	snop;
	(pc) =	sbr.rel .LBB1_4-.Ltmp4, $1  }
0x5b: {  	_ =	sdelay $0x3  }
.LBB1_6:
0x5c: {  	_ =	sfence.sel $0x180000  }
0x5d: {  	s1 =	simm.s32 $0x1;
	[bflag:$0x0] =	sbarrier.arrive $0xFFFF  }
0x5e: {  	s31 =	simm.s32 $0x2;
	[sflag:s1] =	ssyncpa.u1 $0x1  }
0x5f: {  	[sflag:s31] =	ssyncpa.u1 $0x1  }
0x60: {  	p0 =	sne.s32 s0, $0x0;
	_ =	strace $0x9000004A  }
0x61: {  	s0 =	sadd.s32 @!p0 $0x100000, s2;
	[bflag:$0x2] =	sbarrier.arrive $0xFFFF  }
0x62: {  	[sflag:s0] =	ssyncadd.tile.s32 @!p0 $0x1;
	_ =	shalt  }
.Lfunc_end1:
_tile_overlayer_lowered:
.L_overlay_start_2:
0x63: {  	(tag) =	ssettag $0x2  }
0x64: {  	s0 =	rddreg [dreg:$0x0];
	s2 =	stileid.u32  }
0x65: {  	s1 =	rddreg [dreg:$0x1];
	p0 =	sne.s32 s2, $0x0  }
0x66: {  	s3 =	rddreg [dreg:$0x2];
	[bflag:$0x3] =	sbarrier.arrive $0xFFFF;
	s2 =	simm.s32 @!p0 $0x1C01  }
0x67: {  	[timem:s3], [sflag:s2] =	dma.local @!p0 [hbm:s0], s1  }
0x68: {  	s0 =	simm.s32 @!p0 $0x1  }
0x69: {  	_ =	swait.ge @!p0 [sflag:s0], s1  }
0x6a: {  	s1 =	ssub.s32 @!p0 $0x0, s1;
	[sflag:s0] =	ssyncset.done @!p0 $0x0  }
0x6b: {  	[sflag:s0] =	ssyncadd.s32 @!p0 s1  }
0x6c: {  	[bflag:$0x3] =	sbarrier.arrive $0xFFFF  }
0x6d: {  	_ =	shalt  }

</sc_bundles>
